<compile_context>
chip_gen: v7x
topology: tpu7x:2x2x1
jax: 0.10.2.dev20260603
libtpu: 0.0.44.dev20260713+nightly
codegen_flags: <defaults>
</compile_context>

<pallas_src>
import jax
import jax.numpy as jnp
from jax import lax
from jax.experimental import pallas as pl
from jax.experimental.pallas import tpu as pltpu
from jax.experimental.pallas import tpu_sc as plsc

_E = 1600000
_NC = 2
_NS = 16
_NW = _NC * _NS

_IDX_W = (_E * 2) // _NW
_ICH = 20000
_INCH = _IDX_W // _ICH
_VAL_W = _E // _NW
_VCH = 10000
_VNCH = _VAL_W // _VCH

_INT_MIN = jnp.iinfo(jnp.int32).min


def _sc_body(idx_in, val_in, idx_out, val_out, part_out,
             ibuf0, ibuf1, vbuf0, vbuf1, accbuf, allbuf, partbuf, shared,
             isem0, isem1, osem0, osem1, vsem0, vsem1, wsem0, wsem1):
    cid = lax.axis_index("c")
    sid = lax.axis_index("s")
    wid = cid * _NS + sid

    accbuf[...] = jnp.full((16,), _INT_MIN, jnp.int32)

    ibufs, isems, osems = (ibuf0, ibuf1), (isem0, isem1), (osem0, osem1)
    vbufs, vsems, wsems = (vbuf0, vbuf1), (vsem0, vsem1), (wsem0, wsem1)

    def isl(c):
        return pl.ds(wid * _IDX_W + c * _ICH, _ICH)

    def vsl(c):
        return pl.ds(wid * _VAL_W + c * _VCH, _VCH)

    def v_in(c, slot):
        return pltpu.make_async_copy(val_in.at[vsl(c)], vbufs[slot], vsems[slot])

    def v_out(c, slot):
        return pltpu.make_async_copy(vbufs[slot], val_out.at[vsl(c)], wsems[slot])

    def i_in(c, slot):
        return pltpu.make_async_copy(idx_in.at[isl(c)], ibufs[slot], isems[slot])

    def i_out(c, slot):
        return pltpu.make_async_copy(ibufs[slot], idx_out.at[isl(c)], osems[slot])

    i_in(0, 0).start()
    v_in(0, 0).start()
    for c in range(_INCH):
        slot = c % 2
        nxt = 1 - slot
        if c + 1 < _INCH:
            if c >= 1:
                i_out(c - 1, nxt).wait()
                v_out(c - 1, nxt).wait()
            i_in(c + 1, nxt).start()
            v_in(c + 1, nxt).start()
        v_in(c, slot).wait()
        v_out(c, slot).start()
        i_in(c, slot).wait()

        def step(t, a):
            return jnp.maximum(a, ibufs[slot][pl.ds(t * 16, 16)])
        accbuf[...] = lax.fori_loop(0, _ICH // 16, step, accbuf[...],
                                    unroll=8)
        i_out(c, slot).start()
    for c in (_INCH - 2, _INCH - 1):
        i_out(c, c % 2).wait()
        v_out(c, c % 2).wait()

    pltpu.sync_copy(accbuf, shared.at[sid])
    plsc.subcore_barrier()

    @pl.when(sid == 0)
    def _combine():
        pltpu.sync_copy(shared, allbuf)
        m = allbuf[0]
        for i in range(1, _NS):
            m = jnp.maximum(m, allbuf[i])
        partbuf[...] = m
        pltpu.sync_copy(partbuf, part_out.at[cid])


_sc_kernel = pl.kernel(
    _sc_body,
    out_type=[
        jax.ShapeDtypeStruct((_E * 2,), jnp.int32),
        jax.ShapeDtypeStruct((_E,), jnp.float32),
        jax.ShapeDtypeStruct((_NC, 16), jnp.int32),
    ],
    mesh=plsc.VectorSubcoreMesh(core_axis_name="c", subcore_axis_name="s"),
    compiler_params=pltpu.CompilerParams(
        use_tc_tiling_on_sc=False, needs_layout_passes=False),
    scratch_types=[
        pltpu.VMEM((_ICH,), jnp.int32),
        pltpu.VMEM((_ICH,), jnp.int32),
        pltpu.VMEM((_VCH,), jnp.float32),
        pltpu.VMEM((_VCH,), jnp.float32),
        pltpu.VMEM((16,), jnp.int32),
        pltpu.VMEM((_NS, 16), jnp.int32),
        pltpu.VMEM((16,), jnp.int32),
        pltpu.VMEM_SHARED((_NS, 16), jnp.int32),
        pltpu.SemaphoreType.DMA,
        pltpu.SemaphoreType.DMA,
        pltpu.SemaphoreType.DMA,
        pltpu.SemaphoreType.DMA,
        pltpu.SemaphoreType.DMA,
        pltpu.SemaphoreType.DMA,
        pltpu.SemaphoreType.DMA,
        pltpu.SemaphoreType.DMA,
    ],
)


def _fin_body(part_ref, shape_ref):
    n = jnp.max(part_ref[...]) + 1
    shape_ref[0] = n
    shape_ref[1] = n


def kernel(indices, values):
    idx_flat = (indices.reshape(_E // 128, 128, 2)
                .transpose(0, 2, 1).reshape(_E * 2))
    idx_flat_out, val_out, part = _sc_kernel(idx_flat, values)
    idx_out = (idx_flat_out.reshape(_E // 128, 2, 128)
               .transpose(0, 2, 1).reshape(_E, 2))
    dense_shape = pl.pallas_call(
        _fin_body,
        in_specs=[pl.BlockSpec(memory_space=pltpu.MemorySpace.VMEM)],
        out_specs=pl.BlockSpec(memory_space=pltpu.MemorySpace.SMEM),
        out_shape=jax.ShapeDtypeStruct((2,), jnp.int32),
    )(part)
    return (idx_out, val_out, dense_shape)

# --- scband reference (transcript-rebuilt; emitter-appended) ---
"""Pipeline reference for scband-squeezed-sparse-conversion-46789373723395 (READ-ONLY COPY).

The authoritative reference and input builder live on the scoring server;
editing this copy changes nothing except your own understanding.
"""

import jax, jax.numpy as jnp
import numpy as np

E = 1600000
N_NODES = 50000

def setup_inputs(seed: int = 0) -> dict:
    key = jax.random.key(seed)
    k1, k2 = jax.random.split(key)
    indices = jax.random.randint(k1, (E, 2), 0, N_NODES)
    values = jax.random.normal(k2, (E,), dtype=jnp.float32)
    return {"indices": indices, "values": values}

def reference(indices, values):
    # Faithful translation of SqueezedSparseConversion.call:
    #   n_nodes = reduce_max(indices) + 1
    #   cast indices to int64
    #   build SparseTensor(indices, values, dense_shape=(n_nodes, n_nodes))
    # JAX has no tf.sparse.SparseTensor; the canonical COO representation is
    # returned as the (indices, values, dense_shape) triple, which is exactly
    # what SparseTensor stores internally.
    n_nodes = jnp.max(indices) + 1
    indices = indices.astype(jnp.int64)  # int32 if x64 disabled; same semantics
    dense_shape = jnp.stack([n_nodes, n_nodes]).astype(indices.dtype)
    return (indices, values, dense_shape)

if __name__ == "__main__":
    import jax
    _d = setup_inputs()
    print(jax.jit(kernel)(*tuple(_d.values())))

</pallas_src>

<mosaic_0001>
#map = affine_map<(d0, d1) -> (0)>
#map1 = affine_map<(d0, d1) -> (0, 0)>
module attributes {stable_mosaic.version = 14 : i64} {
  func.func @_sc_body(%arg0: i32, %arg1: i32, %arg2: memref<3200000xi32, #tpu.memory_space<hbm>>, %arg3: memref<1600000xf32, #tpu.memory_space<hbm>>, %arg4: memref<3200000xi32, #tpu.memory_space<hbm>>, %arg5: memref<1600000xf32, #tpu.memory_space<hbm>>, %arg6: memref<2x16xi32, #tpu.memory_space<hbm>>, %arg7: memref<20000xi32, #tpu.memory_space<vmem>>, %arg8: memref<20000xi32, #tpu.memory_space<vmem>>, %arg9: memref<10000xf32, #tpu.memory_space<vmem>>, %arg10: memref<10000xf32, #tpu.memory_space<vmem>>, %arg11: memref<16xi32, #tpu.memory_space<vmem>>, %arg12: memref<16x16xi32, #tpu.memory_space<vmem>>, %arg13: memref<16xi32, #tpu.memory_space<vmem>>, %arg14: memref<16x16xi32, #tpu.memory_space<vmem_shared>>, %arg15: memref<!tpu.dma_semaphore, #tpu.memory_space<semaphore_mem>>, %arg16: memref<!tpu.dma_semaphore, #tpu.memory_space<semaphore_mem>>, %arg17: memref<!tpu.dma_semaphore, #tpu.memory_space<semaphore_mem>>, %arg18: memref<!tpu.dma_semaphore, #tpu.memory_space<semaphore_mem>>, %arg19: memref<!tpu.dma_semaphore, #tpu.memory_space<semaphore_mem>>, %arg20: memref<!tpu.dma_semaphore, #tpu.memory_space<semaphore_mem>>, %arg21: memref<!tpu.dma_semaphore, #tpu.memory_space<semaphore_mem>>, %arg22: memref<!tpu.dma_semaphore, #tpu.memory_space<semaphore_mem>>) attributes {dimension_semantics = [#tpu.dimension_semantics<core_parallel>, #tpu.dimension_semantics<subcore_parallel>], iteration_bounds = array<i64: 2, 16>, scalar_prefetch = 0 : i64, scratch_operands = 16 : i64, tpu.core_type = #tpu.core_type<sc_vector_subcore>, window_params = [{transform_indices = #map}, {transform_indices = #map}, {transform_indices = #map}, {transform_indices = #map}, {transform_indices = #map1}]} {
    %mul3A = arith.constant 16 : i32
    %mul3A_0 = arith.muli %arg0, %mul3A : i32
    %add3A = arith.addi %mul3A_0, %arg1 : i32
    %broadcast_in_dim3A = arith.constant -2147483648 : i32
    %broadcast_in_dim3A_1 = vector.broadcast %broadcast_in_dim3A : i32 to vector<16xi32>
    %swap3A = arith.constant 0 : index
    %swap3A_2 = tpu.vector_load %arg11[%swap3A] {strides = array<i32>} : memref<16xi32, #tpu.memory_space<vmem>>, vector<16xi32>,
    tpu.vector_store %arg11[%swap3A], %broadcast_in_dim3A_1 {strides = array<i32>} : memref<16xi32, #tpu.memory_space<vmem>>, vector<16xi32>,
    %mul3A_3 = arith.constant 100000 : i32
    %mul3A_4 = arith.muli %add3A, %mul3A_3 : i32
    %add3A_5 = arith.constant 0 : i32
    %add3A_6 = arith.addi %mul3A_4, %add3A_5 : i32
    %dma_start3A = tpu.memref_slice %arg2[%add3A_6] : memref<3200000xi32, #tpu.memory_space<hbm>> -> memref<20000xi32, #tpu.memory_space<hbm>>
    %dma_start3A_7 = tpu.memref_slice %arg2[%add3A_6] : memref<3200000xi32, #tpu.memory_space<hbm>> -> memref<20000xi32, #tpu.memory_space<hbm>>
    tpu.enqueue_dma source(%dma_start3A_7 : memref<20000xi32, #tpu.memory_space<hbm>>) target(%arg7 : memref<20000xi32, #tpu.memory_space<vmem>>) target_semaphore(%arg15 : memref<!tpu.dma_semaphore, #tpu.memory_space<semaphore_mem>>)
    %mul3A_8 = arith.constant 50000 : i32
    %mul3A_9 = arith.muli %add3A, %mul3A_8 : i32
    %add3A_10 = arith.constant 0 : i32
    %add3A_11 = arith.addi %mul3A_9, %add3A_10 : i32
    %dma_start3A_12 = tpu.memref_slice %arg3[%add3A_11] : memref<1600000xf32, #tpu.memory_space<hbm>> -> memref<10000xf32, #tpu.memory_space<hbm>>
    %dma_start3A_13 = tpu.memref_slice %arg3[%add3A_11] : memref<1600000xf32, #tpu.memory_space<hbm>> -> memref<10000xf32, #tpu.memory_space<hbm>>
    tpu.enqueue_dma source(%dma_start3A_13 : memref<10000xf32, #tpu.memory_space<hbm>>) target(%arg9 : memref<10000xf32, #tpu.memory_space<vmem>>) target_semaphore(%arg19 : memref<!tpu.dma_semaphore, #tpu.memory_space<semaphore_mem>>)
    %mul3A_14 = arith.constant 100000 : i32
    %mul3A_15 = arith.muli %add3A, %mul3A_14 : i32
    %add3A_16 = arith.constant 20000 : i32
    %add3A_17 = arith.addi %mul3A_15, %add3A_16 : i32
    %dma_start3A_18 = tpu.memref_slice %arg2[%add3A_17] : memref<3200000xi32, #tpu.memory_space<hbm>> -> memref<20000xi32, #tpu.memory_space<hbm>>
    %dma_start3A_19 = tpu.memref_slice %arg2[%add3A_17] : memref<3200000xi32, #tpu.memory_space<hbm>> -> memref<20000xi32, #tpu.memory_space<hbm>>
    tpu.enqueue_dma source(%dma_start3A_19 : memref<20000xi32, #tpu.memory_space<hbm>>) target(%arg8 : memref<20000xi32, #tpu.memory_space<vmem>>) target_semaphore(%arg16 : memref<!tpu.dma_semaphore, #tpu.memory_space<semaphore_mem>>)
    %mul3A_20 = arith.constant 50000 : i32
    %mul3A_21 = arith.muli %add3A, %mul3A_20 : i32
    %add3A_22 = arith.constant 10000 : i32
    %add3A_23 = arith.addi %mul3A_21, %add3A_22 : i32
    %dma_start3A_24 = tpu.memref_slice %arg3[%add3A_23] : memref<1600000xf32, #tpu.memory_space<hbm>> -> memref<10000xf32, #tpu.memory_space<hbm>>
    %dma_start3A_25 = tpu.memref_slice %arg3[%add3A_23] : memref<1600000xf32, #tpu.memory_space<hbm>> -> memref<10000xf32, #tpu.memory_space<hbm>>
    tpu.enqueue_dma source(%dma_start3A_25 : memref<10000xf32, #tpu.memory_space<hbm>>) target(%arg10 : memref<10000xf32, #tpu.memory_space<vmem>>) target_semaphore(%arg20 : memref<!tpu.dma_semaphore, #tpu.memory_space<semaphore_mem>>)
    %mul3A_26 = arith.constant 50000 : i32
    %mul3A_27 = arith.muli %add3A, %mul3A_26 : i32
    %add3A_28 = arith.constant 0 : i32
    %add3A_29 = arith.addi %mul3A_27, %add3A_28 : i32
    %dma_wait3A = tpu.memref_slice %arg3[%add3A_29] : memref<1600000xf32, #tpu.memory_space<hbm>> -> memref<10000xf32, #tpu.memory_space<hbm>>
    %dma_wait3A_30 = tpu.memref_slice %arg3[%add3A_29] : memref<1600000xf32, #tpu.memory_space<hbm>> -> memref<10000xf32, #tpu.memory_space<hbm>>
    tpu.wait_dma2 semaphore(%arg19 : memref<!tpu.dma_semaphore, #tpu.memory_space<semaphore_mem>>) src(%dma_wait3A_30 : memref<10000xf32, #tpu.memory_space<hbm>>) dst(%arg9 : memref<10000xf32, #tpu.memory_space<vmem>>)
    %mul3A_31 = arith.constant 50000 : i32
    %mul3A_32 = arith.muli %add3A, %mul3A_31 : i32
    %add3A_33 = arith.constant 0 : i32
    %add3A_34 = arith.addi %mul3A_32, %add3A_33 : i32
    %dma_start3A_35 = tpu.memref_slice %arg5[%add3A_34] : memref<1600000xf32, #tpu.memory_space<hbm>> -> memref<10000xf32, #tpu.memory_space<hbm>>
    %dma_start3A_36 = tpu.memref_slice %arg5[%add3A_34] : memref<1600000xf32, #tpu.memory_space<hbm>> -> memref<10000xf32, #tpu.memory_space<hbm>>
    tpu.enqueue_dma source(%arg9 : memref<10000xf32, #tpu.memory_space<vmem>>) target(%dma_start3A_36 : memref<10000xf32, #tpu.memory_space<hbm>>) target_semaphore(%arg21 : memref<!tpu.dma_semaphore, #tpu.memory_space<semaphore_mem>>)
    %mul3A_37 = arith.constant 100000 : i32
    %mul3A_38 = arith.muli %add3A, %mul3A_37 : i32
    %add3A_39 = arith.constant 0 : i32
    %add3A_40 = arith.addi %mul3A_38, %add3A_39 : i32
    %dma_wait3A_41 = tpu.memref_slice %arg2[%add3A_40] : memref<3200000xi32, #tpu.memory_space<hbm>> -> memref<20000xi32, #tpu.memory_space<hbm>>
    %dma_wait3A_42 = tpu.memref_slice %arg2[%add3A_40] : memref<3200000xi32, #tpu.memory_space<hbm>> -> memref<20000xi32, #tpu.memory_space<hbm>>
    tpu.wait_dma2 semaphore(%arg15 : memref<!tpu.dma_semaphore, #tpu.memory_space<semaphore_mem>>) src(%dma_wait3A_42 : memref<20000xi32, #tpu.memory_space<hbm>>) dst(%arg7 : memref<20000xi32, #tpu.memory_space<vmem>>)
    %get3A = arith.constant 0 : index
    %get3A_43 = tpu.vector_load %arg11[%get3A] {strides = array<i32>} : memref<16xi32, #tpu.memory_space<vmem>>, vector<16xi32>,
    %scan3A = arith.constant 0 : i32
    %scan3A_44 = arith.constant 1248 : i32
    %scan3A_45 = arith.addi %scan3A, %scan3A_44 : i32
    %scan3A_46 = arith.constant 8 : i32
    %scan3A_47 = scf.for %scan3A_360 = %scan3A to %scan3A_45 step %scan3A_46 iter_args(%scan3A_361 = %get3A_43) -> (vector<16xi32>)  : i32 {
      %mul3A_362 = arith.constant 16 : i32
      %mul3A_363 = arith.muli %scan3A_360, %mul3A_362 : i32
      %get3A_364 = arith.index_cast %mul3A_363 : i32 to index
      %get3A_365 = tpu.vector_load %arg7[%get3A_364] {strides = array<i32>} : memref<20000xi32, #tpu.memory_space<vmem>>, vector<16xi32>,
      %max3A_366 = arith.maxsi %scan3A_361, %get3A_365 : vector<16xi32>
      %scan3A_367 = arith.constant 1 : i32
      %scan3A_368 = arith.addi %scan3A_360, %scan3A_367 : i32
      %mul3A_369 = arith.constant 16 : i32
      %mul3A_370 = arith.muli %scan3A_368, %mul3A_369 : i32
      %get3A_371 = arith.index_cast %mul3A_370 : i32 to index
      %get3A_372 = tpu.vector_load %arg7[%get3A_371] {strides = array<i32>} : memref<20000xi32, #tpu.memory_space<vmem>>, vector<16xi32>,
      %max3A_373 = arith.maxsi %max3A_366, %get3A_372 : vector<16xi32>
      %scan3A_374 = arith.constant 2 : i32
      %scan3A_375 = arith.addi %scan3A_360, %scan3A_374 : i32
      %mul3A_376 = arith.constant 16 : i32
      %mul3A_377 = arith.muli %scan3A_375, %mul3A_376 : i32
      %get3A_378 = arith.index_cast %mul3A_377 : i32 to index
      %get3A_379 = tpu.vector_load %arg7[%get3A_378] {strides = array<i32>} : memref<20000xi32, #tpu.memory_space<vmem>>, vector<16xi32>,
      %max3A_380 = arith.maxsi %max3A_373, %get3A_379 : vector<16xi32>
      %scan3A_381 = arith.constant 3 : i32
      %scan3A_382 = arith.addi %scan3A_360, %scan3A_381 : i32
      %mul3A_383 = arith.constant 16 : i32
      %mul3A_384 = arith.muli %scan3A_382, %mul3A_383 : i32
      %get3A_385 = arith.index_cast %mul3A_384 : i32 to index
      %get3A_386 = tpu.vector_load %arg7[%get3A_385] {strides = array<i32>} : memref<20000xi32, #tpu.memory_space<vmem>>, vector<16xi32>,
      %max3A_387 = arith.maxsi %max3A_380, %get3A_386 : vector<16xi32>
      %scan3A_388 = arith.constant 4 : i32
      %scan3A_389 = arith.addi %scan3A_360, %scan3A_388 : i32
      %mul3A_390 = arith.constant 16 : i32
      %mul3A_391 = arith.muli %scan3A_389, %mul3A_390 : i32
      %get3A_392 = arith.index_cast %mul3A_391 : i32 to index
      %get3A_393 = tpu.vector_load %arg7[%get3A_392] {strides = array<i32>} : memref<20000xi32, #tpu.memory_space<vmem>>, vector<16xi32>,
      %max3A_394 = arith.maxsi %max3A_387, %get3A_393 : vector<16xi32>
      %scan3A_395 = arith.constant 5 : i32
      %scan3A_396 = arith.addi %scan3A_360, %scan3A_395 : i32
      %mul3A_397 = arith.constant 16 : i32
      %mul3A_398 = arith.muli %scan3A_396, %mul3A_397 : i32
      %get3A_399 = arith.index_cast %mul3A_398 : i32 to index
      %get3A_400 = tpu.vector_load %arg7[%get3A_399] {strides = array<i32>} : memref<20000xi32, #tpu.memory_space<vmem>>, vector<16xi32>,
      %max3A_401 = arith.maxsi %max3A_394, %get3A_400 : vector<16xi32>
      %scan3A_402 = arith.constant 6 : i32
      %scan3A_403 = arith.addi %scan3A_360, %scan3A_402 : i32
      %mul3A_404 = arith.constant 16 : i32
      %mul3A_405 = arith.muli %scan3A_403, %mul3A_404 : i32
      %get3A_406 = arith.index_cast %mul3A_405 : i32 to index
      %get3A_407 = tpu.vector_load %arg7[%get3A_406] {strides = array<i32>} : memref<20000xi32, #tpu.memory_space<vmem>>, vector<16xi32>,
      %max3A_408 = arith.maxsi %max3A_401, %get3A_407 : vector<16xi32>
      %scan3A_409 = arith.constant 7 : i32
      %scan3A_410 = arith.addi %scan3A_360, %scan3A_409 : i32
      %mul3A_411 = arith.constant 16 : i32
      %mul3A_412 = arith.muli %scan3A_410, %mul3A_411 : i32
      %get3A_413 = arith.index_cast %mul3A_412 : i32 to index
      %get3A_414 = tpu.vector_load %arg7[%get3A_413] {strides = array<i32>} : memref<20000xi32, #tpu.memory_space<vmem>>, vector<16xi32>,
      %max3A_415 = arith.maxsi %max3A_408, %get3A_414 : vector<16xi32>
      scf.yield %max3A_415 : vector<16xi32>
    }
    %scan3A_48 = arith.constant 1248 : i32
    %scan3A_49 = arith.addi %scan3A, %scan3A_48 : i32
    %mul3A_50 = arith.constant 16 : i32
    %mul3A_51 = arith.muli %scan3A_49, %mul3A_50 : i32
    %get3A_52 = arith.index_cast %mul3A_51 : i32 to index
    %get3A_53 = tpu.vector_load %arg7[%get3A_52] {strides = array<i32>} : memref<20000xi32, #tpu.memory_space<vmem>>, vector<16xi32>,
    %max3A = arith.maxsi %scan3A_47, %get3A_53 : vector<16xi32>
    %scan3A_54 = arith.constant 1249 : i32
    %scan3A_55 = arith.addi %scan3A, %scan3A_54 : i32
    %mul3A_56 = arith.constant 16 : i32
    %mul3A_57 = arith.muli %scan3A_55, %mul3A_56 : i32
    %get3A_58 = arith.index_cast %mul3A_57 : i32 to index
    %get3A_59 = tpu.vector_load %arg7[%get3A_58] {strides = array<i32>} : memref<20000xi32, #tpu.memory_space<vmem>>, vector<16xi32>,
    %max3A_60 = arith.maxsi %max3A, %get3A_59 : vector<16xi32>
    %scan3A_61 = arith.constant 1250 : i32
    %swap3A_62 = arith.constant 0 : index
    %swap3A_63 = tpu.vector_load %arg11[%swap3A_62] {strides = array<i32>} : memref<16xi32, #tpu.memory_space<vmem>>, vector<16xi32>,
    tpu.vector_store %arg11[%swap3A_62], %max3A_60 {strides = array<i32>} : memref<16xi32, #tpu.memory_space<vmem>>, vector<16xi32>,
    %mul3A_64 = arith.constant 100000 : i32
    %mul3A_65 = arith.muli %add3A, %mul3A_64 : i32
    %add3A_66 = arith.constant 0 : i32
    %add3A_67 = arith.addi %mul3A_65, %add3A_66 : i32
    %dma_start3A_68 = tpu.memref_slice %arg4[%add3A_67] : memref<3200000xi32, #tpu.memory_space<hbm>> -> memref<20000xi32, #tpu.memory_space<hbm>>
    %dma_start3A_69 = tpu.memref_slice %arg4[%add3A_67] : memref<3200000xi32, #tpu.memory_space<hbm>> -> memref<20000xi32, #tpu.memory_space<hbm>>
    tpu.enqueue_dma source(%arg7 : memref<20000xi32, #tpu.memory_space<vmem>>) target(%dma_start3A_69 : memref<20000xi32, #tpu.memory_space<hbm>>) target_semaphore(%arg17 : memref<!tpu.dma_semaphore, #tpu.memory_space<semaphore_mem>>)
    %mul3A_70 = arith.constant 100000 : i32
    %mul3A_71 = arith.muli %add3A, %mul3A_70 : i32
    %add3A_72 = arith.constant 0 : i32
    %add3A_73 = arith.addi %mul3A_71, %add3A_72 : i32
    %dma_wait3A_74 = tpu.memref_slice %arg4[%add3A_73] : memref<3200000xi32, #tpu.memory_space<hbm>> -> memref<20000xi32, #tpu.memory_space<hbm>>
    %dma_wait3A_75 = tpu.memref_slice %arg4[%add3A_73] : memref<3200000xi32, #tpu.memory_space<hbm>> -> memref<20000xi32, #tpu.memory_space<hbm>>
    tpu.wait_dma2 semaphore(%arg17 : memref<!tpu.dma_semaphore, #tpu.memory_space<semaphore_mem>>) src(%arg7 : memref<20000xi32, #tpu.memory_space<vmem>>) dst(%dma_wait3A_75 : memref<20000xi32, #tpu.memory_space<hbm>>)
    %mul3A_76 = arith.constant 50000 : i32
    %mul3A_77 = arith.muli %add3A, %mul3A_76 : i32
    %add3A_78 = arith.constant 0 : i32
    %add3A_79 = arith.addi %mul3A_77, %add3A_78 : i32
    %dma_wait3A_80 = tpu.memref_slice %arg5[%add3A_79] : memref<1600000xf32, #tpu.memory_space<hbm>> -> memref<10000xf32, #tpu.memory_space<hbm>>
    %dma_wait3A_81 = tpu.memref_slice %arg5[%add3A_79] : memref<1600000xf32, #tpu.memory_space<hbm>> -> memref<10000xf32, #tpu.memory_space<hbm>>
    tpu.wait_dma2 semaphore(%arg21 : memref<!tpu.dma_semaphore, #tpu.memory_space<semaphore_mem>>) src(%arg9 : memref<10000xf32, #tpu.memory_space<vmem>>) dst(%dma_wait3A_81 : memref<10000xf32, #tpu.memory_space<hbm>>)
    %mul3A_82 = arith.constant 100000 : i32
    %mul3A_83 = arith.muli %add3A, %mul3A_82 : i32
    %add3A_84 = arith.constant 40000 : i32
    %add3A_85 = arith.addi %mul3A_83, %add3A_84 : i32
    %dma_start3A_86 = tpu.memref_slice %arg2[%add3A_85] : memref<3200000xi32, #tpu.memory_space<hbm>> -> memref<20000xi32, #tpu.memory_space<hbm>>
    %dma_start3A_87 = tpu.memref_slice %arg2[%add3A_85] : memref<3200000xi32, #tpu.memory_space<hbm>> -> memref<20000xi32, #tpu.memory_space<hbm>>
    tpu.enqueue_dma source(%dma_start3A_87 : memref<20000xi32, #tpu.memory_space<hbm>>) target(%arg7 : memref<20000xi32, #tpu.memory_space<vmem>>) target_semaphore(%arg15 : memref<!tpu.dma_semaphore, #tpu.memory_space<semaphore_mem>>)
    %mul3A_88 = arith.constant 50000 : i32
    %mul3A_89 = arith.muli %add3A, %mul3A_88 : i32
    %add3A_90 = arith.constant 20000 : i32
    %add3A_91 = arith.addi %mul3A_89, %add3A_90 : i32
    %dma_start3A_92 = tpu.memref_slice %arg3[%add3A_91] : memref<1600000xf32, #tpu.memory_space<hbm>> -> memref<10000xf32, #tpu.memory_space<hbm>>
    %dma_start3A_93 = tpu.memref_slice %arg3[%add3A_91] : memref<1600000xf32, #tpu.memory_space<hbm>> -> memref<10000xf32, #tpu.memory_space<hbm>>
    tpu.enqueue_dma source(%dma_start3A_93 : memref<10000xf32, #tpu.memory_space<hbm>>) target(%arg9 : memref<10000xf32, #tpu.memory_space<vmem>>) target_semaphore(%arg19 : memref<!tpu.dma_semaphore, #tpu.memory_space<semaphore_mem>>)
    %mul3A_94 = arith.constant 50000 : i32
    %mul3A_95 = arith.muli %add3A, %mul3A_94 : i32
    %add3A_96 = arith.constant 10000 : i32
    %add3A_97 = arith.addi %mul3A_95, %add3A_96 : i32
    %dma_wait3A_98 = tpu.memref_slice %arg3[%add3A_97] : memref<1600000xf32, #tpu.memory_space<hbm>> -> memref<10000xf32, #tpu.memory_space<hbm>>
    %dma_wait3A_99 = tpu.memref_slice %arg3[%add3A_97] : memref<1600000xf32, #tpu.memory_space<hbm>> -> memref<10000xf32, #tpu.memory_space<hbm>>
    tpu.wait_dma2 semaphore(%arg20 : memref<!tpu.dma_semaphore, #tpu.memory_space<semaphore_mem>>) src(%dma_wait3A_99 : memref<10000xf32, #tpu.memory_space<hbm>>) dst(%arg10 : memref<10000xf32, #tpu.memory_space<vmem>>)
    %mul3A_100 = arith.constant 50000 : i32
    %mul3A_101 = arith.muli %add3A, %mul3A_100 : i32
    %add3A_102 = arith.constant 10000 : i32
    %add3A_103 = arith.addi %mul3A_101, %add3A_102 : i32
    %dma_start3A_104 = tpu.memref_slice %arg5[%add3A_103] : memref<1600000xf32, #tpu.memory_space<hbm>> -> memref<10000xf32, #tpu.memory_space<hbm>>
    %dma_start3A_105 = tpu.memref_slice %arg5[%add3A_103] : memref<1600000xf32, #tpu.memory_space<hbm>> -> memref<10000xf32, #tpu.memory_space<hbm>>
    tpu.enqueue_dma source(%arg10 : memref<10000xf32, #tpu.memory_space<vmem>>) target(%dma_start3A_105 : memref<10000xf32, #tpu.memory_space<hbm>>) target_semaphore(%arg22 : memref<!tpu.dma_semaphore, #tpu.memory_space<semaphore_mem>>)
    %mul3A_106 = arith.constant 100000 : i32
    %mul3A_107 = arith.muli %add3A, %mul3A_106 : i32
    %add3A_108 = arith.constant 20000 : i32
    %add3A_109 = arith.addi %mul3A_107, %add3A_108 : i32
    %dma_wait3A_110 = tpu.memref_slice %arg2[%add3A_109] : memref<3200000xi32, #tpu.memory_space<hbm>> -> memref<20000xi32, #tpu.memory_space<hbm>>
    %dma_wait3A_111 = tpu.memref_slice %arg2[%add3A_109] : memref<3200000xi32, #tpu.memory_space<hbm>> -> memref<20000xi32, #tpu.memory_space<hbm>>
    tpu.wait_dma2 semaphore(%arg16 : memref<!tpu.dma_semaphore, #tpu.memory_space<semaphore_mem>>) src(%dma_wait3A_111 : memref<20000xi32, #tpu.memory_space<hbm>>) dst(%arg8 : memref<20000xi32, #tpu.memory_space<vmem>>)
    %get3A_112 = arith.constant 0 : index
    %get3A_113 = tpu.vector_load %arg11[%get3A_112] {strides = array<i32>} : memref<16xi32, #tpu.memory_space<vmem>>, vector<16xi32>,
    %scan3A_114 = arith.constant 0 : i32
    %scan3A_115 = arith.constant 1248 : i32
    %scan3A_116 = arith.addi %scan3A_114, %scan3A_115 : i32
    %scan3A_117 = arith.constant 8 : i32
    %scan3A_118 = scf.for %scan3A_360 = %scan3A_114 to %scan3A_116 step %scan3A_117 iter_args(%scan3A_361 = %get3A_113) -> (vector<16xi32>)  : i32 {
      %mul3A_362 = arith.constant 16 : i32
      %mul3A_363 = arith.muli %scan3A_360, %mul3A_362 : i32
      %get3A_364 = arith.index_cast %mul3A_363 : i32 to index
      %get3A_365 = tpu.vector_load %arg8[%get3A_364] {strides = array<i32>} : memref<20000xi32, #tpu.memory_space<vmem>>, vector<16xi32>,
      %max3A_366 = arith.maxsi %scan3A_361, %get3A_365 : vector<16xi32>
      %scan3A_367 = arith.constant 1 : i32
      %scan3A_368 = arith.addi %scan3A_360, %scan3A_367 : i32
      %mul3A_369 = arith.constant 16 : i32
      %mul3A_370 = arith.muli %scan3A_368, %mul3A_369 : i32
      %get3A_371 = arith.index_cast %mul3A_370 : i32 to index
      %get3A_372 = tpu.vector_load %arg8[%get3A_371] {strides = array<i32>} : memref<20000xi32, #tpu.memory_space<vmem>>, vector<16xi32>,
      %max3A_373 = arith.maxsi %max3A_366, %get3A_372 : vector<16xi32>
      %scan3A_374 = arith.constant 2 : i32
      %scan3A_375 = arith.addi %scan3A_360, %scan3A_374 : i32
      %mul3A_376 = arith.constant 16 : i32
      %mul3A_377 = arith.muli %scan3A_375, %mul3A_376 : i32
      %get3A_378 = arith.index_cast %mul3A_377 : i32 to index
      %get3A_379 = tpu.vector_load %arg8[%get3A_378] {strides = array<i32>} : memref<20000xi32, #tpu.memory_space<vmem>>, vector<16xi32>,
      %max3A_380 = arith.maxsi %max3A_373, %get3A_379 : vector<16xi32>
      %scan3A_381 = arith.constant 3 : i32
      %scan3A_382 = arith.addi %scan3A_360, %scan3A_381 : i32
      %mul3A_383 = arith.constant 16 : i32
      %mul3A_384 = arith.muli %scan3A_382, %mul3A_383 : i32
      %get3A_385 = arith.index_cast %mul3A_384 : i32 to index
      %get3A_386 = tpu.vector_load %arg8[%get3A_385] {strides = array<i32>} : memref<20000xi32, #tpu.memory_space<vmem>>, vector<16xi32>,
      %max3A_387 = arith.maxsi %max3A_380, %get3A_386 : vector<16xi32>
      %scan3A_388 = arith.constant 4 : i32
      %scan3A_389 = arith.addi %scan3A_360, %scan3A_388 : i32
      %mul3A_390 = arith.constant 16 : i32
      %mul3A_391 = arith.muli %scan3A_389, %mul3A_390 : i32
      %get3A_392 = arith.index_cast %mul3A_391 : i32 to index
      %get3A_393 = tpu.vector_load %arg8[%get3A_392] {strides = array<i32>} : memref<20000xi32, #tpu.memory_space<vmem>>, vector<16xi32>,
      %max3A_394 = arith.maxsi %max3A_387, %get3A_393 : vector<16xi32>
      %scan3A_395 = arith.constant 5 : i32
      %scan3A_396 = arith.addi %scan3A_360, %scan3A_395 : i32
      %mul3A_397 = arith.constant 16 : i32
      %mul3A_398 = arith.muli %scan3A_396, %mul3A_397 : i32
      %get3A_399 = arith.index_cast %mul3A_398 : i32 to index
      %get3A_400 = tpu.vector_load %arg8[%get3A_399] {strides = array<i32>} : memref<20000xi32, #tpu.memory_space<vmem>>, vector<16xi32>,
      %max3A_401 = arith.maxsi %max3A_394, %get3A_400 : vector<16xi32>
      %scan3A_402 = arith.constant 6 : i32
      %scan3A_403 = arith.addi %scan3A_360, %scan3A_402 : i32
      %mul3A_404 = arith.constant 16 : i32
      %mul3A_405 = arith.muli %scan3A_403, %mul3A_404 : i32
      %get3A_406 = arith.index_cast %mul3A_405 : i32 to index
      %get3A_407 = tpu.vector_load %arg8[%get3A_406] {strides = array<i32>} : memref<20000xi32, #tpu.memory_space<vmem>>, vector<16xi32>,
      %max3A_408 = arith.maxsi %max3A_401, %get3A_407 : vector<16xi32>
      %scan3A_409 = arith.constant 7 : i32
      %scan3A_410 = arith.addi %scan3A_360, %scan3A_409 : i32
      %mul3A_411 = arith.constant 16 : i32
      %mul3A_412 = arith.muli %scan3A_410, %mul3A_411 : i32
      %get3A_413 = arith.index_cast %mul3A_412 : i32 to index
      %get3A_414 = tpu.vector_load %arg8[%get3A_413] {strides = array<i32>} : memref<20000xi32, #tpu.memory_space<vmem>>, vector<16xi32>,
      %max3A_415 = arith.maxsi %max3A_408, %get3A_414 : vector<16xi32>
      scf.yield %max3A_415 : vector<16xi32>
    }
    %scan3A_119 = arith.constant 1248 : i32
    %scan3A_120 = arith.addi %scan3A_114, %scan3A_119 : i32
    %mul3A_121 = arith.constant 16 : i32
    %mul3A_122 = arith.muli %scan3A_120, %mul3A_121 : i32
    %get3A_123 = arith.index_cast %mul3A_122 : i32 to index
    %get3A_124 = tpu.vector_load %arg8[%get3A_123] {strides = array<i32>} : memref<20000xi32, #tpu.memory_space<vmem>>, vector<16xi32>,
    %max3A_125 = arith.maxsi %scan3A_118, %get3A_124 : vector<16xi32>
    %scan3A_126 = arith.constant 1249 : i32
    %scan3A_127 = arith.addi %scan3A_114, %scan3A_126 : i32
    %mul3A_128 = arith.constant 16 : i32
    %mul3A_129 = arith.muli %scan3A_127, %mul3A_128 : i32
    %get3A_130 = arith.index_cast %mul3A_129 : i32 to index
    %get3A_131 = tpu.vector_load %arg8[%get3A_130] {strides = array<i32>} : memref<20000xi32, #tpu.memory_space<vmem>>, vector<16xi32>,
    %max3A_132 = arith.maxsi %max3A_125, %get3A_131 : vector<16xi32>
    %scan3A_133 = arith.constant 1250 : i32
    %swap3A_134 = arith.constant 0 : index
    %swap3A_135 = tpu.vector_load %arg11[%swap3A_134] {strides = array<i32>} : memref<16xi32, #tpu.memory_space<vmem>>, vector<16xi32>,
    tpu.vector_store %arg11[%swap3A_134], %max3A_132 {strides = array<i32>} : memref<16xi32, #tpu.memory_space<vmem>>, vector<16xi32>,
    %mul3A_136 = arith.constant 100000 : i32
    %mul3A_137 = arith.muli %add3A, %mul3A_136 : i32
    %add3A_138 = arith.constant 20000 : i32
    %add3A_139 = arith.addi %mul3A_137, %add3A_138 : i32
    %dma_start3A_140 = tpu.memref_slice %arg4[%add3A_139] : memref<3200000xi32, #tpu.memory_space<hbm>> -> memref<20000xi32, #tpu.memory_space<hbm>>
    %dma_start3A_141 = tpu.memref_slice %arg4[%add3A_139] : memref<3200000xi32, #tpu.memory_space<hbm>> -> memref<20000xi32, #tpu.memory_space<hbm>>
    tpu.enqueue_dma source(%arg8 : memref<20000xi32, #tpu.memory_space<vmem>>) target(%dma_start3A_141 : memref<20000xi32, #tpu.memory_space<hbm>>) target_semaphore(%arg18 : memref<!tpu.dma_semaphore, #tpu.memory_space<semaphore_mem>>)
    %mul3A_142 = arith.constant 100000 : i32
    %mul3A_143 = arith.muli %add3A, %mul3A_142 : i32
    %add3A_144 = arith.constant 20000 : i32
    %add3A_145 = arith.addi %mul3A_143, %add3A_144 : i32
    %dma_wait3A_146 = tpu.memref_slice %arg4[%add3A_145] : memref<3200000xi32, #tpu.memory_space<hbm>> -> memref<20000xi32, #tpu.memory_space<hbm>>
    %dma_wait3A_147 = tpu.memref_slice %arg4[%add3A_145] : memref<3200000xi32, #tpu.memory_space<hbm>> -> memref<20000xi32, #tpu.memory_space<hbm>>
    tpu.wait_dma2 semaphore(%arg18 : memref<!tpu.dma_semaphore, #tpu.memory_space<semaphore_mem>>) src(%arg8 : memref<20000xi32, #tpu.memory_space<vmem>>) dst(%dma_wait3A_147 : memref<20000xi32, #tpu.memory_space<hbm>>)
    %mul3A_148 = arith.constant 50000 : i32
    %mul3A_149 = arith.muli %add3A, %mul3A_148 : i32
    %add3A_150 = arith.constant 10000 : i32
    %add3A_151 = arith.addi %mul3A_149, %add3A_150 : i32
    %dma_wait3A_152 = tpu.memref_slice %arg5[%add3A_151] : memref<1600000xf32, #tpu.memory_space<hbm>> -> memref<10000xf32, #tpu.memory_space<hbm>>
    %dma_wait3A_153 = tpu.memref_slice %arg5[%add3A_151] : memref<1600000xf32, #tpu.memory_space<hbm>> -> memref<10000xf32, #tpu.memory_space<hbm>>
    tpu.wait_dma2 semaphore(%arg22 : memref<!tpu.dma_semaphore, #tpu.memory_space<semaphore_mem>>) src(%arg10 : memref<10000xf32, #tpu.memory_space<vmem>>) dst(%dma_wait3A_153 : memref<10000xf32, #tpu.memory_space<hbm>>)
    %mul3A_154 = arith.constant 100000 : i32
    %mul3A_155 = arith.muli %add3A, %mul3A_154 : i32
    %add3A_156 = arith.constant 60000 : i32
    %add3A_157 = arith.addi %mul3A_155, %add3A_156 : i32
    %dma_start3A_158 = tpu.memref_slice %arg2[%add3A_157] : memref<3200000xi32, #tpu.memory_space<hbm>> -> memref<20000xi32, #tpu.memory_space<hbm>>
    %dma_start3A_159 = tpu.memref_slice %arg2[%add3A_157] : memref<3200000xi32, #tpu.memory_space<hbm>> -> memref<20000xi32, #tpu.memory_space<hbm>>
    tpu.enqueue_dma source(%dma_start3A_159 : memref<20000xi32, #tpu.memory_space<hbm>>) target(%arg8 : memref<20000xi32, #tpu.memory_space<vmem>>) target_semaphore(%arg16 : memref<!tpu.dma_semaphore, #tpu.memory_space<semaphore_mem>>)
    %mul3A_160 = arith.constant 50000 : i32
    %mul3A_161 = arith.muli %add3A, %mul3A_160 : i32
    %add3A_162 = arith.constant 30000 : i32
    %add3A_163 = arith.addi %mul3A_161, %add3A_162 : i32
    %dma_start3A_164 = tpu.memref_slice %arg3[%add3A_163] : memref<1600000xf32, #tpu.memory_space<hbm>> -> memref<10000xf32, #tpu.memory_space<hbm>>
    %dma_start3A_165 = tpu.memref_slice %arg3[%add3A_163] : memref<1600000xf32, #tpu.memory_space<hbm>> -> memref<10000xf32, #tpu.memory_space<hbm>>
    tpu.enqueue_dma source(%dma_start3A_165 : memref<10000xf32, #tpu.memory_space<hbm>>) target(%arg10 : memref<10000xf32, #tpu.memory_space<vmem>>) target_semaphore(%arg20 : memref<!tpu.dma_semaphore, #tpu.memory_space<semaphore_mem>>)
    %mul3A_166 = arith.constant 50000 : i32
    %mul3A_167 = arith.muli %add3A, %mul3A_166 : i32
    %add3A_168 = arith.constant 20000 : i32
    %add3A_169 = arith.addi %mul3A_167, %add3A_168 : i32
    %dma_wait3A_170 = tpu.memref_slice %arg3[%add3A_169] : memref<1600000xf32, #tpu.memory_space<hbm>> -> memref<10000xf32, #tpu.memory_space<hbm>>
    %dma_wait3A_171 = tpu.memref_slice %arg3[%add3A_169] : memref<1600000xf32, #tpu.memory_space<hbm>> -> memref<10000xf32, #tpu.memory_space<hbm>>
    tpu.wait_dma2 semaphore(%arg19 : memref<!tpu.dma_semaphore, #tpu.memory_space<semaphore_mem>>) src(%dma_wait3A_171 : memref<10000xf32, #tpu.memory_space<hbm>>) dst(%arg9 : memref<10000xf32, #tpu.memory_space<vmem>>)
    %mul3A_172 = arith.constant 50000 : i32
    %mul3A_173 = arith.muli %add3A, %mul3A_172 : i32
    %add3A_174 = arith.constant 20000 : i32
    %add3A_175 = arith.addi %mul3A_173, %add3A_174 : i32
    %dma_start3A_176 = tpu.memref_slice %arg5[%add3A_175] : memref<1600000xf32, #tpu.memory_space<hbm>> -> memref<10000xf32, #tpu.memory_space<hbm>>
    %dma_start3A_177 = tpu.memref_slice %arg5[%add3A_175] : memref<1600000xf32, #tpu.memory_space<hbm>> -> memref<10000xf32, #tpu.memory_space<hbm>>
    tpu.enqueue_dma source(%arg9 : memref<10000xf32, #tpu.memory_space<vmem>>) target(%dma_start3A_177 : memref<10000xf32, #tpu.memory_space<hbm>>) target_semaphore(%arg21 : memref<!tpu.dma_semaphore, #tpu.memory_space<semaphore_mem>>)
    %mul3A_178 = arith.constant 100000 : i32
    %mul3A_179 = arith.muli %add3A, %mul3A_178 : i32
    %add3A_180 = arith.constant 40000 : i32
    %add3A_181 = arith.addi %mul3A_179, %add3A_180 : i32
    %dma_wait3A_182 = tpu.memref_slice %arg2[%add3A_181] : memref<3200000xi32, #tpu.memory_space<hbm>> -> memref<20000xi32, #tpu.memory_space<hbm>>
    %dma_wait3A_183 = tpu.memref_slice %arg2[%add3A_181] : memref<3200000xi32, #tpu.memory_space<hbm>> -> memref<20000xi32, #tpu.memory_space<hbm>>
    tpu.wait_dma2 semaphore(%arg15 : memref<!tpu.dma_semaphore, #tpu.memory_space<semaphore_mem>>) src(%dma_wait3A_183 : memref<20000xi32, #tpu.memory_space<hbm>>) dst(%arg7 : memref<20000xi32, #tpu.memory_space<vmem>>)
    %get3A_184 = arith.constant 0 : index
    %get3A_185 = tpu.vector_load %arg11[%get3A_184] {strides = array<i32>} : memref<16xi32, #tpu.memory_space<vmem>>, vector<16xi32>,
    %scan3A_186 = arith.constant 0 : i32
    %scan3A_187 = arith.constant 1248 : i32
    %scan3A_188 = arith.addi %scan3A_186, %scan3A_187 : i32
    %scan3A_189 = arith.constant 8 : i32
    %scan3A_190 = scf.for %scan3A_360 = %scan3A_186 to %scan3A_188 step %scan3A_189 iter_args(%scan3A_361 = %get3A_185) -> (vector<16xi32>)  : i32 {
      %mul3A_362 = arith.constant 16 : i32
      %mul3A_363 = arith.muli %scan3A_360, %mul3A_362 : i32
      %get3A_364 = arith.index_cast %mul3A_363 : i32 to index
      %get3A_365 = tpu.vector_load %arg7[%get3A_364] {strides = array<i32>} : memref<20000xi32, #tpu.memory_space<vmem>>, vector<16xi32>,
      %max3A_366 = arith.maxsi %scan3A_361, %get3A_365 : vector<16xi32>
      %scan3A_367 = arith.constant 1 : i32
      %scan3A_368 = arith.addi %scan3A_360, %scan3A_367 : i32
      %mul3A_369 = arith.constant 16 : i32
      %mul3A_370 = arith.muli %scan3A_368, %mul3A_369 : i32
      %get3A_371 = arith.index_cast %mul3A_370 : i32 to index
      %get3A_372 = tpu.vector_load %arg7[%get3A_371] {strides = array<i32>} : memref<20000xi32, #tpu.memory_space<vmem>>, vector<16xi32>,
      %max3A_373 = arith.maxsi %max3A_366, %get3A_372 : vector<16xi32>
      %scan3A_374 = arith.constant 2 : i32
      %scan3A_375 = arith.addi %scan3A_360, %scan3A_374 : i32
      %mul3A_376 = arith.constant 16 : i32
      %mul3A_377 = arith.muli %scan3A_375, %mul3A_376 : i32
      %get3A_378 = arith.index_cast %mul3A_377 : i32 to index
      %get3A_379 = tpu.vector_load %arg7[%get3A_378] {strides = array<i32>} : memref<20000xi32, #tpu.memory_space<vmem>>, vector<16xi32>,
      %max3A_380 = arith.maxsi %max3A_373, %get3A_379 : vector<16xi32>
      %scan3A_381 = arith.constant 3 : i32
      %scan3A_382 = arith.addi %scan3A_360, %scan3A_381 : i32
      %mul3A_383 = arith.constant 16 : i32
      %mul3A_384 = arith.muli %scan3A_382, %mul3A_383 : i32
      %get3A_385 = arith.index_cast %mul3A_384 : i32 to index
      %get3A_386 = tpu.vector_load %arg7[%get3A_385] {strides = array<i32>} : memref<20000xi32, #tpu.memory_space<vmem>>, vector<16xi32>,
      %max3A_387 = arith.maxsi %max3A_380, %get3A_386 : vector<16xi32>
      %scan3A_388 = arith.constant 4 : i32
      %scan3A_389 = arith.addi %scan3A_360, %scan3A_388 : i32
      %mul3A_390 = arith.constant 16 : i32
      %mul3A_391 = arith.muli %scan3A_389, %mul3A_390 : i32
      %get3A_392 = arith.index_cast %mul3A_391 : i32 to index
      %get3A_393 = tpu.vector_load %arg7[%get3A_392] {strides = array<i32>} : memref<20000xi32, #tpu.memory_space<vmem>>, vector<16xi32>,
      %max3A_394 = arith.maxsi %max3A_387, %get3A_393 : vector<16xi32>
      %scan3A_395 = arith.constant 5 : i32
      %scan3A_396 = arith.addi %scan3A_360, %scan3A_395 : i32
      %mul3A_397 = arith.constant 16 : i32
      %mul3A_398 = arith.muli %scan3A_396, %mul3A_397 : i32
      %get3A_399 = arith.index_cast %mul3A_398 : i32 to index
      %get3A_400 = tpu.vector_load %arg7[%get3A_399] {strides = array<i32>} : memref<20000xi32, #tpu.memory_space<vmem>>, vector<16xi32>,
      %max3A_401 = arith.maxsi %max3A_394, %get3A_400 : vector<16xi32>
      %scan3A_402 = arith.constant 6 : i32
      %scan3A_403 = arith.addi %scan3A_360, %scan3A_402 : i32
      %mul3A_404 = arith.constant 16 : i32
      %mul3A_405 = arith.muli %scan3A_403, %mul3A_404 : i32
      %get3A_406 = arith.index_cast %mul3A_405 : i32 to index
      %get3A_407 = tpu.vector_load %arg7[%get3A_406] {strides = array<i32>} : memref<20000xi32, #tpu.memory_space<vmem>>, vector<16xi32>,
      %max3A_408 = arith.maxsi %max3A_401, %get3A_407 : vector<16xi32>
      %scan3A_409 = arith.constant 7 : i32
      %scan3A_410 = arith.addi %scan3A_360, %scan3A_409 : i32
      %mul3A_411 = arith.constant 16 : i32
      %mul3A_412 = arith.muli %scan3A_410, %mul3A_411 : i32
      %get3A_413 = arith.index_cast %mul3A_412 : i32 to index
      %get3A_414 = tpu.vector_load %arg7[%get3A_413] {strides = array<i32>} : memref<20000xi32, #tpu.memory_space<vmem>>, vector<16xi32>,
      %max3A_415 = arith.maxsi %max3A_408, %get3A_414 : vector<16xi32>
      scf.yield %max3A_415 : vector<16xi32>
    }
    %scan3A_191 = arith.constant 1248 : i32
    %scan3A_192 = arith.addi %scan3A_186, %scan3A_191 : i32
    %mul3A_193 = arith.constant 16 : i32
    %mul3A_194 = arith.muli %scan3A_192, %mul3A_193 : i32
    %get3A_195 = arith.index_cast %mul3A_194 : i32 to index
    %get3A_196 = tpu.vector_load %arg7[%get3A_195] {strides = array<i32>} : memref<20000xi32, #tpu.memory_space<vmem>>, vector<16xi32>,
    %max3A_197 = arith.maxsi %scan3A_190, %get3A_196 : vector<16xi32>
    %scan3A_198 = arith.constant 1249 : i32
    %scan3A_199 = arith.addi %scan3A_186, %scan3A_198 : i32
    %mul3A_200 = arith.constant 16 : i32
    %mul3A_201 = arith.muli %scan3A_199, %mul3A_200 : i32
    %get3A_202 = arith.index_cast %mul3A_201 : i32 to index
    %get3A_203 = tpu.vector_load %arg7[%get3A_202] {strides = array<i32>} : memref<20000xi32, #tpu.memory_space<vmem>>, vector<16xi32>,
    %max3A_204 = arith.maxsi %max3A_197, %get3A_203 : vector<16xi32>
    %scan3A_205 = arith.constant 1250 : i32
    %swap3A_206 = arith.constant 0 : index
    %swap3A_207 = tpu.vector_load %arg11[%swap3A_206] {strides = array<i32>} : memref<16xi32, #tpu.memory_space<vmem>>, vector<16xi32>,
    tpu.vector_store %arg11[%swap3A_206], %max3A_204 {strides = array<i32>} : memref<16xi32, #tpu.memory_space<vmem>>, vector<16xi32>,
    %mul3A_208 = arith.constant 100000 : i32
    %mul3A_209 = arith.muli %add3A, %mul3A_208 : i32
    %add3A_210 = arith.constant 40000 : i32
    %add3A_211 = arith.addi %mul3A_209, %add3A_210 : i32
    %dma_start3A_212 = tpu.memref_slice %arg4[%add3A_211] : memref<3200000xi32, #tpu.memory_space<hbm>> -> memref<20000xi32, #tpu.memory_space<hbm>>
    %dma_start3A_213 = tpu.memref_slice %arg4[%add3A_211] : memref<3200000xi32, #tpu.memory_space<hbm>> -> memref<20000xi32, #tpu.memory_space<hbm>>
    tpu.enqueue_dma source(%arg7 : memref<20000xi32, #tpu.memory_space<vmem>>) target(%dma_start3A_213 : memref<20000xi32, #tpu.memory_space<hbm>>) target_semaphore(%arg17 : memref<!tpu.dma_semaphore, #tpu.memory_space<semaphore_mem>>)
    %mul3A_214 = arith.constant 100000 : i32
    %mul3A_215 = arith.muli %add3A, %mul3A_214 : i32
    %add3A_216 = arith.constant 40000 : i32
    %add3A_217 = arith.addi %mul3A_215, %add3A_216 : i32
    %dma_wait3A_218 = tpu.memref_slice %arg4[%add3A_217] : memref<3200000xi32, #tpu.memory_space<hbm>> -> memref<20000xi32, #tpu.memory_space<hbm>>
    %dma_wait3A_219 = tpu.memref_slice %arg4[%add3A_217] : memref<3200000xi32, #tpu.memory_space<hbm>> -> memref<20000xi32, #tpu.memory_space<hbm>>
    tpu.wait_dma2 semaphore(%arg17 : memref<!tpu.dma_semaphore, #tpu.memory_space<semaphore_mem>>) src(%arg7 : memref<20000xi32, #tpu.memory_space<vmem>>) dst(%dma_wait3A_219 : memref<20000xi32, #tpu.memory_space<hbm>>)
    %mul3A_220 = arith.constant 50000 : i32
    %mul3A_221 = arith.muli %add3A, %mul3A_220 : i32
    %add3A_222 = arith.constant 20000 : i32
    %add3A_223 = arith.addi %mul3A_221, %add3A_222 : i32
    %dma_wait3A_224 = tpu.memref_slice %arg5[%add3A_223] : memref<1600000xf32, #tpu.memory_space<hbm>> -> memref<10000xf32, #tpu.memory_space<hbm>>
    %dma_wait3A_225 = tpu.memref_slice %arg5[%add3A_223] : memref<1600000xf32, #tpu.memory_space<hbm>> -> memref<10000xf32, #tpu.memory_space<hbm>>
    tpu.wait_dma2 semaphore(%arg21 : memref<!tpu.dma_semaphore, #tpu.memory_space<semaphore_mem>>) src(%arg9 : memref<10000xf32, #tpu.memory_space<vmem>>) dst(%dma_wait3A_225 : memref<10000xf32, #tpu.memory_space<hbm>>)
    %mul3A_226 = arith.constant 100000 : i32
    %mul3A_227 = arith.muli %add3A, %mul3A_226 : i32
    %add3A_228 = arith.constant 80000 : i32
    %add3A_229 = arith.addi %mul3A_227, %add3A_228 : i32
    %dma_start3A_230 = tpu.memref_slice %arg2[%add3A_229] : memref<3200000xi32, #tpu.memory_space<hbm>> -> memref<20000xi32, #tpu.memory_space<hbm>>
    %dma_start3A_231 = tpu.memref_slice %arg2[%add3A_229] : memref<3200000xi32, #tpu.memory_space<hbm>> -> memref<20000xi32, #tpu.memory_space<hbm>>
    tpu.enqueue_dma source(%dma_start3A_231 : memref<20000xi32, #tpu.memory_space<hbm>>) target(%arg7 : memref<20000xi32, #tpu.memory_space<vmem>>) target_semaphore(%arg15 : memref<!tpu.dma_semaphore, #tpu.memory_space<semaphore_mem>>)
    %mul3A_232 = arith.constant 50000 : i32
    %mul3A_233 = arith.muli %add3A, %mul3A_232 : i32
    %add3A_234 = arith.constant 40000 : i32
    %add3A_235 = arith.addi %mul3A_233, %add3A_234 : i32
    %dma_start3A_236 = tpu.memref_slice %arg3[%add3A_235] : memref<1600000xf32, #tpu.memory_space<hbm>> -> memref<10000xf32, #tpu.memory_space<hbm>>
    %dma_start3A_237 = tpu.memref_slice %arg3[%add3A_235] : memref<1600000xf32, #tpu.memory_space<hbm>> -> memref<10000xf32, #tpu.memory_space<hbm>>
    tpu.enqueue_dma source(%dma_start3A_237 : memref<10000xf32, #tpu.memory_space<hbm>>) target(%arg9 : memref<10000xf32, #tpu.memory_space<vmem>>) target_semaphore(%arg19 : memref<!tpu.dma_semaphore, #tpu.memory_space<semaphore_mem>>)
    %mul3A_238 = arith.constant 50000 : i32
    %mul3A_239 = arith.muli %add3A, %mul3A_238 : i32
    %add3A_240 = arith.constant 30000 : i32
    %add3A_241 = arith.addi %mul3A_239, %add3A_240 : i32
    %dma_wait3A_242 = tpu.memref_slice %arg3[%add3A_241] : memref<1600000xf32, #tpu.memory_space<hbm>> -> memref<10000xf32, #tpu.memory_space<hbm>>
    %dma_wait3A_243 = tpu.memref_slice %arg3[%add3A_241] : memref<1600000xf32, #tpu.memory_space<hbm>> -> memref<10000xf32, #tpu.memory_space<hbm>>
    tpu.wait_dma2 semaphore(%arg20 : memref<!tpu.dma_semaphore, #tpu.memory_space<semaphore_mem>>) src(%dma_wait3A_243 : memref<10000xf32, #tpu.memory_space<hbm>>) dst(%arg10 : memref<10000xf32, #tpu.memory_space<vmem>>)
    %mul3A_244 = arith.constant 50000 : i32
    %mul3A_245 = arith.muli %add3A, %mul3A_244 : i32
    %add3A_246 = arith.constant 30000 : i32
    %add3A_247 = arith.addi %mul3A_245, %add3A_246 : i32
    %dma_start3A_248 = tpu.memref_slice %arg5[%add3A_247] : memref<1600000xf32, #tpu.memory_space<hbm>> -> memref<10000xf32, #tpu.memory_space<hbm>>
    %dma_start3A_249 = tpu.memref_slice %arg5[%add3A_247] : memref<1600000xf32, #tpu.memory_space<hbm>> -> memref<10000xf32, #tpu.memory_space<hbm>>
    tpu.enqueue_dma source(%arg10 : memref<10000xf32, #tpu.memory_space<vmem>>) target(%dma_start3A_249 : memref<10000xf32, #tpu.memory_space<hbm>>) target_semaphore(%arg22 : memref<!tpu.dma_semaphore, #tpu.memory_space<semaphore_mem>>)
    %mul3A_250 = arith.constant 100000 : i32
    %mul3A_251 = arith.muli %add3A, %mul3A_250 : i32
    %add3A_252 = arith.constant 60000 : i32
    %add3A_253 = arith.addi %mul3A_251, %add3A_252 : i32
    %dma_wait3A_254 = tpu.memref_slice %arg2[%add3A_253] : memref<3200000xi32, #tpu.memory_space<hbm>> -> memref<20000xi32, #tpu.memory_space<hbm>>
    %dma_wait3A_255 = tpu.memref_slice %arg2[%add3A_253] : memref<3200000xi32, #tpu.memory_space<hbm>> -> memref<20000xi32, #tpu.memory_space<hbm>>
    tpu.wait_dma2 semaphore(%arg16 : memref<!tpu.dma_semaphore, #tpu.memory_space<semaphore_mem>>) src(%dma_wait3A_255 : memref<20000xi32, #tpu.memory_space<hbm>>) dst(%arg8 : memref<20000xi32, #tpu.memory_space<vmem>>)
    %get3A_256 = arith.constant 0 : index
    %get3A_257 = tpu.vector_load %arg11[%get3A_256] {strides = array<i32>} : memref<16xi32, #tpu.memory_space<vmem>>, vector<16xi32>,
    %scan3A_258 = arith.constant 0 : i32
    %scan3A_259 = arith.constant 1248 : i32
    %scan3A_260 = arith.addi %scan3A_258, %scan3A_259 : i32
    %scan3A_261 = arith.constant 8 : i32
    %scan3A_262 = scf.for %scan3A_360 = %scan3A_258 to %scan3A_260 step %scan3A_261 iter_args(%scan3A_361 = %get3A_257) -> (vector<16xi32>)  : i32 {
      %mul3A_362 = arith.constant 16 : i32
      %mul3A_363 = arith.muli %scan3A_360, %mul3A_362 : i32
      %get3A_364 = arith.index_cast %mul3A_363 : i32 to index
      %get3A_365 = tpu.vector_load %arg8[%get3A_364] {strides = array<i32>} : memref<20000xi32, #tpu.memory_space<vmem>>, vector<16xi32>,
      %max3A_366 = arith.maxsi %scan3A_361, %get3A_365 : vector<16xi32>
      %scan3A_367 = arith.constant 1 : i32
      %scan3A_368 = arith.addi %scan3A_360, %scan3A_367 : i32
      %mul3A_369 = arith.constant 16 : i32
      %mul3A_370 = arith.muli %scan3A_368, %mul3A_369 : i32
      %get3A_371 = arith.index_cast %mul3A_370 : i32 to index
      %get3A_372 = tpu.vector_load %arg8[%get3A_371] {strides = array<i32>} : memref<20000xi32, #tpu.memory_space<vmem>>, vector<16xi32>,
      %max3A_373 = arith.maxsi %max3A_366, %get3A_372 : vector<16xi32>
      %scan3A_374 = arith.constant 2 : i32
      %scan3A_375 = arith.addi %scan3A_360, %scan3A_374 : i32
      %mul3A_376 = arith.constant 16 : i32
      %mul3A_377 = arith.muli %scan3A_375, %mul3A_376 : i32
      %get3A_378 = arith.index_cast %mul3A_377 : i32 to index
      %get3A_379 = tpu.vector_load %arg8[%get3A_378] {strides = array<i32>} : memref<20000xi32, #tpu.memory_space<vmem>>, vector<16xi32>,
      %max3A_380 = arith.maxsi %max3A_373, %get3A_379 : vector<16xi32>
      %scan3A_381 = arith.constant 3 : i32
      %scan3A_382 = arith.addi %scan3A_360, %scan3A_381 : i32
      %mul3A_383 = arith.constant 16 : i32
      %mul3A_384 = arith.muli %scan3A_382, %mul3A_383 : i32
      %get3A_385 = arith.index_cast %mul3A_384 : i32 to index
      %get3A_386 = tpu.vector_load %arg8[%get3A_385] {strides = array<i32>} : memref<20000xi32, #tpu.memory_space<vmem>>, vector<16xi32>,
      %max3A_387 = arith.maxsi %max3A_380, %get3A_386 : vector<16xi32>
      %scan3A_388 = arith.constant 4 : i32
      %scan3A_389 = arith.addi %scan3A_360, %scan3A_388 : i32
      %mul3A_390 = arith.constant 16 : i32
      %mul3A_391 = arith.muli %scan3A_389, %mul3A_390 : i32
      %get3A_392 = arith.index_cast %mul3A_391 : i32 to index
      %get3A_393 = tpu.vector_load %arg8[%get3A_392] {strides = array<i32>} : memref<20000xi32, #tpu.memory_space<vmem>>, vector<16xi32>,
      %max3A_394 = arith.maxsi %max3A_387, %get3A_393 : vector<16xi32>
      %scan3A_395 = arith.constant 5 : i32
      %scan3A_396 = arith.addi %scan3A_360, %scan3A_395 : i32
      %mul3A_397 = arith.constant 16 : i32
      %mul3A_398 = arith.muli %scan3A_396, %mul3A_397 : i32
      %get3A_399 = arith.index_cast %mul3A_398 : i32 to index
      %get3A_400 = tpu.vector_load %arg8[%get3A_399] {strides = array<i32>} : memref<20000xi32, #tpu.memory_space<vmem>>, vector<16xi32>,
      %max3A_401 = arith.maxsi %max3A_394, %get3A_400 : vector<16xi32>
      %scan3A_402 = arith.constant 6 : i32
      %scan3A_403 = arith.addi %scan3A_360, %scan3A_402 : i32
      %mul3A_404 = arith.constant 16 : i32
      %mul3A_405 = arith.muli %scan3A_403, %mul3A_404 : i32
      %get3A_406 = arith.index_cast %mul3A_405 : i32 to index
      %get3A_407 = tpu.vector_load %arg8[%get3A_406] {strides = array<i32>} : memref<20000xi32, #tpu.memory_space<vmem>>, vector<16xi32>,
      %max3A_408 = arith.maxsi %max3A_401, %get3A_407 : vector<16xi32>
      %scan3A_409 = arith.constant 7 : i32
      %scan3A_410 = arith.addi %scan3A_360, %scan3A_409 : i32
      %mul3A_411 = arith.constant 16 : i32
      %mul3A_412 = arith.muli %scan3A_410, %mul3A_411 : i32
      %get3A_413 = arith.index_cast %mul3A_412 : i32 to index
      %get3A_414 = tpu.vector_load %arg8[%get3A_413] {strides = array<i32>} : memref<20000xi32, #tpu.memory_space<vmem>>, vector<16xi32>,
      %max3A_415 = arith.maxsi %max3A_408, %get3A_414 : vector<16xi32>
      scf.yield %max3A_415 : vector<16xi32>
    }
    %scan3A_263 = arith.constant 1248 : i32
    %scan3A_264 = arith.addi %scan3A_258, %scan3A_263 : i32
    %mul3A_265 = arith.constant 16 : i32
    %mul3A_266 = arith.muli %scan3A_264, %mul3A_265 : i32
    %get3A_267 = arith.index_cast %mul3A_266 : i32 to index
    %get3A_268 = tpu.vector_load %arg8[%get3A_267] {strides = array<i32>} : memref<20000xi32, #tpu.memory_space<vmem>>, vector<16xi32>,
    %max3A_269 = arith.maxsi %scan3A_262, %get3A_268 : vector<16xi32>
    %scan3A_270 = arith.constant 1249 : i32
    %scan3A_271 = arith.addi %scan3A_258, %scan3A_270 : i32
    %mul3A_272 = arith.constant 16 : i32
    %mul3A_273 = arith.muli %scan3A_271, %mul3A_272 : i32
    %get3A_274 = arith.index_cast %mul3A_273 : i32 to index
    %get3A_275 = tpu.vector_load %arg8[%get3A_274] {strides = array<i32>} : memref<20000xi32, #tpu.memory_space<vmem>>, vector<16xi32>,
    %max3A_276 = arith.maxsi %max3A_269, %get3A_275 : vector<16xi32>
    %scan3A_277 = arith.constant 1250 : i32
    %swap3A_278 = arith.constant 0 : index
    %swap3A_279 = tpu.vector_load %arg11[%swap3A_278] {strides = array<i32>} : memref<16xi32, #tpu.memory_space<vmem>>, vector<16xi32>,
    tpu.vector_store %arg11[%swap3A_278], %max3A_276 {strides = array<i32>} : memref<16xi32, #tpu.memory_space<vmem>>, vector<16xi32>,
    %mul3A_280 = arith.constant 100000 : i32
    %mul3A_281 = arith.muli %add3A, %mul3A_280 : i32
    %add3A_282 = arith.constant 60000 : i32
    %add3A_283 = arith.addi %mul3A_281, %add3A_282 : i32
    %dma_start3A_284 = tpu.memref_slice %arg4[%add3A_283] : memref<3200000xi32, #tpu.memory_space<hbm>> -> memref<20000xi32, #tpu.memory_space<hbm>>
    %dma_start3A_285 = tpu.memref_slice %arg4[%add3A_283] : memref<3200000xi32, #tpu.memory_space<hbm>> -> memref<20000xi32, #tpu.memory_space<hbm>>
    tpu.enqueue_dma source(%arg8 : memref<20000xi32, #tpu.memory_space<vmem>>) target(%dma_start3A_285 : memref<20000xi32, #tpu.memory_space<hbm>>) target_semaphore(%arg18 : memref<!tpu.dma_semaphore, #tpu.memory_space<semaphore_mem>>)
    %mul3A_286 = arith.constant 50000 : i32
    %mul3A_287 = arith.muli %add3A, %mul3A_286 : i32
    %add3A_288 = arith.constant 40000 : i32
    %add3A_289 = arith.addi %mul3A_287, %add3A_288 : i32
    %dma_wait3A_290 = tpu.memref_slice %arg3[%add3A_289] : memref<1600000xf32, #tpu.memory_space<hbm>> -> memref<10000xf32, #tpu.memory_space<hbm>>
    %dma_wait3A_291 = tpu.memref_slice %arg3[%add3A_289] : memref<1600000xf32, #tpu.memory_space<hbm>> -> memref<10000xf32, #tpu.memory_space<hbm>>
    tpu.wait_dma2 semaphore(%arg19 : memref<!tpu.dma_semaphore, #tpu.memory_space<semaphore_mem>>) src(%dma_wait3A_291 : memref<10000xf32, #tpu.memory_space<hbm>>) dst(%arg9 : memref<10000xf32, #tpu.memory_space<vmem>>)
    %mul3A_292 = arith.constant 50000 : i32
    %mul3A_293 = arith.muli %add3A, %mul3A_292 : i32
    %add3A_294 = arith.constant 40000 : i32
    %add3A_295 = arith.addi %mul3A_293, %add3A_294 : i32
    %dma_start3A_296 = tpu.memref_slice %arg5[%add3A_295] : memref<1600000xf32, #tpu.memory_space<hbm>> -> memref<10000xf32, #tpu.memory_space<hbm>>
    %dma_start3A_297 = tpu.memref_slice %arg5[%add3A_295] : memref<1600000xf32, #tpu.memory_space<hbm>> -> memref<10000xf32, #tpu.memory_space<hbm>>
    tpu.enqueue_dma source(%arg9 : memref<10000xf32, #tpu.memory_space<vmem>>) target(%dma_start3A_297 : memref<10000xf32, #tpu.memory_space<hbm>>) target_semaphore(%arg21 : memref<!tpu.dma_semaphore, #tpu.memory_space<semaphore_mem>>)
    %mul3A_298 = arith.constant 100000 : i32
    %mul3A_299 = arith.muli %add3A, %mul3A_298 : i32
    %add3A_300 = arith.constant 80000 : i32
    %add3A_301 = arith.addi %mul3A_299, %add3A_300 : i32
    %dma_wait3A_302 = tpu.memref_slice %arg2[%add3A_301] : memref<3200000xi32, #tpu.memory_space<hbm>> -> memref<20000xi32, #tpu.memory_space<hbm>>
    %dma_wait3A_303 = tpu.memref_slice %arg2[%add3A_301] : memref<3200000xi32, #tpu.memory_space<hbm>> -> memref<20000xi32, #tpu.memory_space<hbm>>
    tpu.wait_dma2 semaphore(%arg15 : memref<!tpu.dma_semaphore, #tpu.memory_space<semaphore_mem>>) src(%dma_wait3A_303 : memref<20000xi32, #tpu.memory_space<hbm>>) dst(%arg7 : memref<20000xi32, #tpu.memory_space<vmem>>)
    %get3A_304 = arith.constant 0 : index
    %get3A_305 = tpu.vector_load %arg11[%get3A_304] {strides = array<i32>} : memref<16xi32, #tpu.memory_space<vmem>>, vector<16xi32>,
    %scan3A_306 = arith.constant 0 : i32
    %scan3A_307 = arith.constant 1248 : i32
    %scan3A_308 = arith.addi %scan3A_306, %scan3A_307 : i32
    %scan3A_309 = arith.constant 8 : i32
    %scan3A_310 = scf.for %scan3A_360 = %scan3A_306 to %scan3A_308 step %scan3A_309 iter_args(%scan3A_361 = %get3A_305) -> (vector<16xi32>)  : i32 {
      %mul3A_362 = arith.constant 16 : i32
      %mul3A_363 = arith.muli %scan3A_360, %mul3A_362 : i32
      %get3A_364 = arith.index_cast %mul3A_363 : i32 to index
      %get3A_365 = tpu.vector_load %arg7[%get3A_364] {strides = array<i32>} : memref<20000xi32, #tpu.memory_space<vmem>>, vector<16xi32>,
      %max3A_366 = arith.maxsi %scan3A_361, %get3A_365 : vector<16xi32>
      %scan3A_367 = arith.constant 1 : i32
      %scan3A_368 = arith.addi %scan3A_360, %scan3A_367 : i32
      %mul3A_369 = arith.constant 16 : i32
      %mul3A_370 = arith.muli %scan3A_368, %mul3A_369 : i32
      %get3A_371 = arith.index_cast %mul3A_370 : i32 to index
      %get3A_372 = tpu.vector_load %arg7[%get3A_371] {strides = array<i32>} : memref<20000xi32, #tpu.memory_space<vmem>>, vector<16xi32>,
      %max3A_373 = arith.maxsi %max3A_366, %get3A_372 : vector<16xi32>
      %scan3A_374 = arith.constant 2 : i32
      %scan3A_375 = arith.addi %scan3A_360, %scan3A_374 : i32
      %mul3A_376 = arith.constant 16 : i32
      %mul3A_377 = arith.muli %scan3A_375, %mul3A_376 : i32
      %get3A_378 = arith.index_cast %mul3A_377 : i32 to index
      %get3A_379 = tpu.vector_load %arg7[%get3A_378] {strides = array<i32>} : memref<20000xi32, #tpu.memory_space<vmem>>, vector<16xi32>,
      %max3A_380 = arith.maxsi %max3A_373, %get3A_379 : vector<16xi32>
      %scan3A_381 = arith.constant 3 : i32
      %scan3A_382 = arith.addi %scan3A_360, %scan3A_381 : i32
      %mul3A_383 = arith.constant 16 : i32
      %mul3A_384 = arith.muli %scan3A_382, %mul3A_383 : i32
      %get3A_385 = arith.index_cast %mul3A_384 : i32 to index
      %get3A_386 = tpu.vector_load %arg7[%get3A_385] {strides = array<i32>} : memref<20000xi32, #tpu.memory_space<vmem>>, vector<16xi32>,
      %max3A_387 = arith.maxsi %max3A_380, %get3A_386 : vector<16xi32>
      %scan3A_388 = arith.constant 4 : i32
      %scan3A_389 = arith.addi %scan3A_360, %scan3A_388 : i32
      %mul3A_390 = arith.constant 16 : i32
      %mul3A_391 = arith.muli %scan3A_389, %mul3A_390 : i32
      %get3A_392 = arith.index_cast %mul3A_391 : i32 to index
      %get3A_393 = tpu.vector_load %arg7[%get3A_392] {strides = array<i32>} : memref<20000xi32, #tpu.memory_space<vmem>>, vector<16xi32>,
      %max3A_394 = arith.maxsi %max3A_387, %get3A_393 : vector<16xi32>
      %scan3A_395 = arith.constant 5 : i32
      %scan3A_396 = arith.addi %scan3A_360, %scan3A_395 : i32
      %mul3A_397 = arith.constant 16 : i32
      %mul3A_398 = arith.muli %scan3A_396, %mul3A_397 : i32
      %get3A_399 = arith.index_cast %mul3A_398 : i32 to index
      %get3A_400 = tpu.vector_load %arg7[%get3A_399] {strides = array<i32>} : memref<20000xi32, #tpu.memory_space<vmem>>, vector<16xi32>,
      %max3A_401 = arith.maxsi %max3A_394, %get3A_400 : vector<16xi32>
      %scan3A_402 = arith.constant 6 : i32
      %scan3A_403 = arith.addi %scan3A_360, %scan3A_402 : i32
      %mul3A_404 = arith.constant 16 : i32
      %mul3A_405 = arith.muli %scan3A_403, %mul3A_404 : i32
      %get3A_406 = arith.index_cast %mul3A_405 : i32 to index
      %get3A_407 = tpu.vector_load %arg7[%get3A_406] {strides = array<i32>} : memref<20000xi32, #tpu.memory_space<vmem>>, vector<16xi32>,
      %max3A_408 = arith.maxsi %max3A_401, %get3A_407 : vector<16xi32>
      %scan3A_409 = arith.constant 7 : i32
      %scan3A_410 = arith.addi %scan3A_360, %scan3A_409 : i32
      %mul3A_411 = arith.constant 16 : i32
      %mul3A_412 = arith.muli %scan3A_410, %mul3A_411 : i32
      %get3A_413 = arith.index_cast %mul3A_412 : i32 to index
      %get3A_414 = tpu.vector_load %arg7[%get3A_413] {strides = array<i32>} : memref<20000xi32, #tpu.memory_space<vmem>>, vector<16xi32>,
      %max3A_415 = arith.maxsi %max3A_408, %get3A_414 : vector<16xi32>
      scf.yield %max3A_415 : vector<16xi32>
    }
    %scan3A_311 = arith.constant 1248 : i32
    %scan3A_312 = arith.addi %scan3A_306, %scan3A_311 : i32
    %mul3A_313 = arith.constant 16 : i32
    %mul3A_314 = arith.muli %scan3A_312, %mul3A_313 : i32
    %get3A_315 = arith.index_cast %mul3A_314 : i32 to index
    %get3A_316 = tpu.vector_load %arg7[%get3A_315] {strides = array<i32>} : memref<20000xi32, #tpu.memory_space<vmem>>, vector<16xi32>,
    %max3A_317 = arith.maxsi %scan3A_310, %get3A_316 : vector<16xi32>
    %scan3A_318 = arith.constant 1249 : i32
    %scan3A_319 = arith.addi %scan3A_306, %scan3A_318 : i32
    %mul3A_320 = arith.constant 16 : i32
    %mul3A_321 = arith.muli %scan3A_319, %mul3A_320 : i32
    %get3A_322 = arith.index_cast %mul3A_321 : i32 to index
    %get3A_323 = tpu.vector_load %arg7[%get3A_322] {strides = array<i32>} : memref<20000xi32, #tpu.memory_space<vmem>>, vector<16xi32>,
    %max3A_324 = arith.maxsi %max3A_317, %get3A_323 : vector<16xi32>
    %scan3A_325 = arith.constant 1250 : i32
    %swap3A_326 = arith.constant 0 : index
    %swap3A_327 = tpu.vector_load %arg11[%swap3A_326] {strides = array<i32>} : memref<16xi32, #tpu.memory_space<vmem>>, vector<16xi32>,
    tpu.vector_store %arg11[%swap3A_326], %max3A_324 {strides = array<i32>} : memref<16xi32, #tpu.memory_space<vmem>>, vector<16xi32>,
    %mul3A_328 = arith.constant 100000 : i32
    %mul3A_329 = arith.muli %add3A, %mul3A_328 : i32
    %add3A_330 = arith.constant 80000 : i32
    %add3A_331 = arith.addi %mul3A_329, %add3A_330 : i32
    %dma_start3A_332 = tpu.memref_slice %arg4[%add3A_331] : memref<3200000xi32, #tpu.memory_space<hbm>> -> memref<20000xi32, #tpu.memory_space<hbm>>
    %dma_start3A_333 = tpu.memref_slice %arg4[%add3A_331] : memref<3200000xi32, #tpu.memory_space<hbm>> -> memref<20000xi32, #tpu.memory_space<hbm>>
    tpu.enqueue_dma source(%arg7 : memref<20000xi32, #tpu.memory_space<vmem>>) target(%dma_start3A_333 : memref<20000xi32, #tpu.memory_space<hbm>>) target_semaphore(%arg17 : memref<!tpu.dma_semaphore, #tpu.memory_space<semaphore_mem>>)
    %mul3A_334 = arith.constant 100000 : i32
    %mul3A_335 = arith.muli %add3A, %mul3A_334 : i32
    %add3A_336 = arith.constant 60000 : i32
    %add3A_337 = arith.addi %mul3A_335, %add3A_336 : i32
    %dma_wait3A_338 = tpu.memref_slice %arg4[%add3A_337] : memref<3200000xi32, #tpu.memory_space<hbm>> -> memref<20000xi32, #tpu.memory_space<hbm>>
    %dma_wait3A_339 = tpu.memref_slice %arg4[%add3A_337] : memref<3200000xi32, #tpu.memory_space<hbm>> -> memref<20000xi32, #tpu.memory_space<hbm>>
    tpu.wait_dma2 semaphore(%arg18 : memref<!tpu.dma_semaphore, #tpu.memory_space<semaphore_mem>>) src(%arg8 : memref<20000xi32, #tpu.memory_space<vmem>>) dst(%dma_wait3A_339 : memref<20000xi32, #tpu.memory_space<hbm>>)
    %mul3A_340 = arith.constant 50000 : i32
    %mul3A_341 = arith.muli %add3A, %mul3A_340 : i32
    %add3A_342 = arith.constant 30000 : i32
    %add3A_343 = arith.addi %mul3A_341, %add3A_342 : i32
    %dma_wait3A_344 = tpu.memref_slice %arg5[%add3A_343] : memref<1600000xf32, #tpu.memory_space<hbm>> -> memref<10000xf32, #tpu.memory_space<hbm>>
    %dma_wait3A_345 = tpu.memref_slice %arg5[%add3A_343] : memref<1600000xf32, #tpu.memory_space<hbm>> -> memref<10000xf32, #tpu.memory_space<hbm>>
    tpu.wait_dma2 semaphore(%arg22 : memref<!tpu.dma_semaphore, #tpu.memory_space<semaphore_mem>>) src(%arg10 : memref<10000xf32, #tpu.memory_space<vmem>>) dst(%dma_wait3A_345 : memref<10000xf32, #tpu.memory_space<hbm>>)
    %mul3A_346 = arith.constant 100000 : i32
    %mul3A_347 = arith.muli %add3A, %mul3A_346 : i32
    %add3A_348 = arith.constant 80000 : i32
    %add3A_349 = arith.addi %mul3A_347, %add3A_348 : i32
    %dma_wait3A_350 = tpu.memref_slice %arg4[%add3A_349] : memref<3200000xi32, #tpu.memory_space<hbm>> -> memref<20000xi32, #tpu.memory_space<hbm>>
    %dma_wait3A_351 = tpu.memref_slice %arg4[%add3A_349] : memref<3200000xi32, #tpu.memory_space<hbm>> -> memref<20000xi32, #tpu.memory_space<hbm>>
    tpu.wait_dma2 semaphore(%arg17 : memref<!tpu.dma_semaphore, #tpu.memory_space<semaphore_mem>>) src(%arg7 : memref<20000xi32, #tpu.memory_space<vmem>>) dst(%dma_wait3A_351 : memref<20000xi32, #tpu.memory_space<hbm>>)
    %mul3A_352 = arith.constant 50000 : i32
    %mul3A_353 = arith.muli %add3A, %mul3A_352 : i32
    %add3A_354 = arith.constant 40000 : i32
    %add3A_355 = arith.addi %mul3A_353, %add3A_354 : i32
    %dma_wait3A_356 = tpu.memref_slice %arg5[%add3A_355] : memref<1600000xf32, #tpu.memory_space<hbm>> -> memref<10000xf32, #tpu.memory_space<hbm>>
    %dma_wait3A_357 = tpu.memref_slice %arg5[%add3A_355] : memref<1600000xf32, #tpu.memory_space<hbm>> -> memref<10000xf32, #tpu.memory_space<hbm>>
    tpu.wait_dma2 semaphore(%arg21 : memref<!tpu.dma_semaphore, #tpu.memory_space<semaphore_mem>>) src(%arg9 : memref<10000xf32, #tpu.memory_space<vmem>>) dst(%dma_wait3A_357 : memref<10000xf32, #tpu.memory_space<hbm>>)
    "tpu.region"() ({
      %run_scoped3A = tpu.sem_alloc : memref<!tpu.dma_semaphore, #tpu.memory_space<semaphore_mem>>
      %dma_start3A_360 = arith.constant 0 : i32
      %dma_start3A_361 = tpu.memref_slice %arg14[%arg1, %dma_start3A_360] : memref<16x16xi32, #tpu.memory_space<vmem_shared>> -> memref<1x16xi32, #tpu.memory_space<vmem_shared>>
      %dma_start3A_362 = tpu.memref_squeeze %dma_start3A_361 : memref<1x16xi32, #tpu.memory_space<vmem_shared>> -> memref<16xi32, #tpu.memory_space<vmem_shared>>
      %dma_start3A_363 = arith.constant 0 : i32
      %dma_start3A_364 = tpu.memref_slice %arg14[%arg1, %dma_start3A_363] : memref<16x16xi32, #tpu.memory_space<vmem_shared>> -> memref<1x16xi32, #tpu.memory_space<vmem_shared>>
      %dma_start3A_365 = tpu.memref_squeeze %dma_start3A_364 : memref<1x16xi32, #tpu.memory_space<vmem_shared>> -> memref<16xi32, #tpu.memory_space<vmem_shared>>
      tpu.enqueue_dma source(%arg11 : memref<16xi32, #tpu.memory_space<vmem>>) target(%dma_start3A_365 : memref<16xi32, #tpu.memory_space<vmem_shared>>) target_semaphore(%run_scoped3A : memref<!tpu.dma_semaphore, #tpu.memory_space<semaphore_mem>>)
      %dma_wait3A_366 = arith.constant 0 : i32
      %dma_wait3A_367 = tpu.memref_slice %arg14[%arg1, %dma_wait3A_366] : memref<16x16xi32, #tpu.memory_space<vmem_shared>> -> memref<1x16xi32, #tpu.memory_space<vmem_shared>>
      %dma_wait3A_368 = tpu.memref_squeeze %dma_wait3A_367 : memref<1x16xi32, #tpu.memory_space<vmem_shared>> -> memref<16xi32, #tpu.memory_space<vmem_shared>>
      %dma_wait3A_369 = arith.constant 0 : i32
      %dma_wait3A_370 = tpu.memref_slice %arg14[%arg1, %dma_wait3A_369] : memref<16x16xi32, #tpu.memory_space<vmem_shared>> -> memref<1x16xi32, #tpu.memory_space<vmem_shared>>
      %dma_wait3A_371 = tpu.memref_squeeze %dma_wait3A_370 : memref<1x16xi32, #tpu.memory_space<vmem_shared>> -> memref<16xi32, #tpu.memory_space<vmem_shared>>
      tpu.wait_dma2 semaphore(%run_scoped3A : memref<!tpu.dma_semaphore, #tpu.memory_space<semaphore_mem>>) src(%arg11 : memref<16xi32, #tpu.memory_space<vmem>>) dst(%dma_wait3A_371 : memref<16xi32, #tpu.memory_space<vmem_shared>>)
      tpu.yield
    }) : () -> ()
    %barrier3A = arith.constant 0 : index
    tpu.barrier barrier_id(%barrier3A)
    %eq3A = arith.constant 0 : i32
    %eq3A_358 = arith.cmpi eq, %arg1, %eq3A : i32
    %convert_element_type3A = arith.extui %eq3A_358 : i1 to i32
    %cond3A = arith.constant 0 : i32
    %cond3A_359 = arith.cmpi ne, %convert_element_type3A, %cond3A : i32
    scf.if %cond3A_359 {
      "tpu.region"() ({
        %run_scoped3A = tpu.sem_alloc : memref<!tpu.dma_semaphore, #tpu.memory_space<semaphore_mem>>
        tpu.enqueue_dma source(%arg14 : memref<16x16xi32, #tpu.memory_space<vmem_shared>>) target(%arg12 : memref<16x16xi32, #tpu.memory_space<vmem>>) target_semaphore(%run_scoped3A : memref<!tpu.dma_semaphore, #tpu.memory_space<semaphore_mem>>)
        tpu.wait_dma2 semaphore(%run_scoped3A : memref<!tpu.dma_semaphore, #tpu.memory_space<semaphore_mem>>) src(%arg14 : memref<16x16xi32, #tpu.memory_space<vmem_shared>>) dst(%arg12 : memref<16x16xi32, #tpu.memory_space<vmem>>)
        tpu.yield
      }) : () -> ()
      %get3A_360 = arith.constant 0 : i32
      %get3A_361 = arith.index_cast %get3A_360 : i32 to index
      %get3A_362 = arith.constant 0 : index
      %get3A_363 = tpu.vector_load %arg12[%get3A_361, %get3A_362] {strides = array<i32>} : memref<16x16xi32, #tpu.memory_space<vmem>>, vector<16xi32>,
      %get3A_364 = arith.constant 1 : i32
      %get3A_365 = arith.index_cast %get3A_364 : i32 to index
      %get3A_366 = arith.constant 0 : index
      %get3A_367 = tpu.vector_load %arg12[%get3A_365, %get3A_366] {strides = array<i32>} : memref<16x16xi32, #tpu.memory_space<vmem>>, vector<16xi32>,
      %max3A_368 = arith.maxsi %get3A_363, %get3A_367 : vector<16xi32>
      %get3A_369 = arith.constant 2 : i32
      %get3A_370 = arith.index_cast %get3A_369 : i32 to index
      %get3A_371 = arith.constant 0 : index
      %get3A_372 = tpu.vector_load %arg12[%get3A_370, %get3A_371] {strides = array<i32>} : memref<16x16xi32, #tpu.memory_space<vmem>>, vector<16xi32>,
      %max3A_373 = arith.maxsi %max3A_368, %get3A_372 : vector<16xi32>
      %get3A_374 = arith.constant 3 : i32
      %get3A_375 = arith.index_cast %get3A_374 : i32 to index
      %get3A_376 = arith.constant 0 : index
      %get3A_377 = tpu.vector_load %arg12[%get3A_375, %get3A_376] {strides = array<i32>} : memref<16x16xi32, #tpu.memory_space<vmem>>, vector<16xi32>,
      %max3A_378 = arith.maxsi %max3A_373, %get3A_377 : vector<16xi32>
      %get3A_379 = arith.constant 4 : i32
      %get3A_380 = arith.index_cast %get3A_379 : i32 to index
      %get3A_381 = arith.constant 0 : index
      %get3A_382 = tpu.vector_load %arg12[%get3A_380, %get3A_381] {strides = array<i32>} : memref<16x16xi32, #tpu.memory_space<vmem>>, vector<16xi32>,
      %max3A_383 = arith.maxsi %max3A_378, %get3A_382 : vector<16xi32>
      %get3A_384 = arith.constant 5 : i32
      %get3A_385 = arith.index_cast %get3A_384 : i32 to index
      %get3A_386 = arith.constant 0 : index
      %get3A_387 = tpu.vector_load %arg12[%get3A_385, %get3A_386] {strides = array<i32>} : memref<16x16xi32, #tpu.memory_space<vmem>>, vector<16xi32>,
      %max3A_388 = arith.maxsi %max3A_383, %get3A_387 : vector<16xi32>
      %get3A_389 = arith.constant 6 : i32
      %get3A_390 = arith.index_cast %get3A_389 : i32 to index
      %get3A_391 = arith.constant 0 : index
      %get3A_392 = tpu.vector_load %arg12[%get3A_390, %get3A_391] {strides = array<i32>} : memref<16x16xi32, #tpu.memory_space<vmem>>, vector<16xi32>,
      %max3A_393 = arith.maxsi %max3A_388, %get3A_392 : vector<16xi32>
      %get3A_394 = arith.constant 7 : i32
      %get3A_395 = arith.index_cast %get3A_394 : i32 to index
      %get3A_396 = arith.constant 0 : index
      %get3A_397 = tpu.vector_load %arg12[%get3A_395, %get3A_396] {strides = array<i32>} : memref<16x16xi32, #tpu.memory_space<vmem>>, vector<16xi32>,
      %max3A_398 = arith.maxsi %max3A_393, %get3A_397 : vector<16xi32>
      %get3A_399 = arith.constant 8 : i32
      %get3A_400 = arith.index_cast %get3A_399 : i32 to index
      %get3A_401 = arith.constant 0 : index
      %get3A_402 = tpu.vector_load %arg12[%get3A_400, %get3A_401] {strides = array<i32>} : memref<16x16xi32, #tpu.memory_space<vmem>>, vector<16xi32>,
      %max3A_403 = arith.maxsi %max3A_398, %get3A_402 : vector<16xi32>
      %get3A_404 = arith.constant 9 : i32
      %get3A_405 = arith.index_cast %get3A_404 : i32 to index
      %get3A_406 = arith.constant 0 : index
      %get3A_407 = tpu.vector_load %arg12[%get3A_405, %get3A_406] {strides = array<i32>} : memref<16x16xi32, #tpu.memory_space<vmem>>, vector<16xi32>,
      %max3A_408 = arith.maxsi %max3A_403, %get3A_407 : vector<16xi32>
      %get3A_409 = arith.constant 10 : i32
      %get3A_410 = arith.index_cast %get3A_409 : i32 to index
      %get3A_411 = arith.constant 0 : index
      %get3A_412 = tpu.vector_load %arg12[%get3A_410, %get3A_411] {strides = array<i32>} : memref<16x16xi32, #tpu.memory_space<vmem>>, vector<16xi32>,
      %max3A_413 = arith.maxsi %max3A_408, %get3A_412 : vector<16xi32>
      %get3A_414 = arith.constant 11 : i32
      %get3A_415 = arith.index_cast %get3A_414 : i32 to index
      %get3A_416 = arith.constant 0 : index
      %get3A_417 = tpu.vector_load %arg12[%get3A_415, %get3A_416] {strides = array<i32>} : memref<16x16xi32, #tpu.memory_space<vmem>>, vector<16xi32>,
      %max3A_418 = arith.maxsi %max3A_413, %get3A_417 : vector<16xi32>
      %get3A_419 = arith.constant 12 : i32
      %get3A_420 = arith.index_cast %get3A_419 : i32 to index
      %get3A_421 = arith.constant 0 : index
      %get3A_422 = tpu.vector_load %arg12[%get3A_420, %get3A_421] {strides = array<i32>} : memref<16x16xi32, #tpu.memory_space<vmem>>, vector<16xi32>,
      %max3A_423 = arith.maxsi %max3A_418, %get3A_422 : vector<16xi32>
      %get3A_424 = arith.constant 13 : i32
      %get3A_425 = arith.index_cast %get3A_424 : i32 to index
      %get3A_426 = arith.constant 0 : index
      %get3A_427 = tpu.vector_load %arg12[%get3A_425, %get3A_426] {strides = array<i32>} : memref<16x16xi32, #tpu.memory_space<vmem>>, vector<16xi32>,
      %max3A_428 = arith.maxsi %max3A_423, %get3A_427 : vector<16xi32>
      %get3A_429 = arith.constant 14 : i32
      %get3A_430 = arith.index_cast %get3A_429 : i32 to index
      %get3A_431 = arith.constant 0 : index
      %get3A_432 = tpu.vector_load %arg12[%get3A_430, %get3A_431] {strides = array<i32>} : memref<16x16xi32, #tpu.memory_space<vmem>>, vector<16xi32>,
      %max3A_433 = arith.maxsi %max3A_428, %get3A_432 : vector<16xi32>
      %get3A_434 = arith.constant 15 : i32
      %get3A_435 = arith.index_cast %get3A_434 : i32 to index
      %get3A_436 = arith.constant 0 : index
      %get3A_437 = tpu.vector_load %arg12[%get3A_435, %get3A_436] {strides = array<i32>} : memref<16x16xi32, #tpu.memory_space<vmem>>, vector<16xi32>,
      %max3A_438 = arith.maxsi %max3A_433, %get3A_437 : vector<16xi32>
      %swap3A_439 = arith.constant 0 : index
      %swap3A_440 = tpu.vector_load %arg13[%swap3A_439] {strides = array<i32>} : memref<16xi32, #tpu.memory_space<vmem>>, vector<16xi32>,
      tpu.vector_store %arg13[%swap3A_439], %max3A_438 {strides = array<i32>} : memref<16xi32, #tpu.memory_space<vmem>>, vector<16xi32>,
      "tpu.region"() ({
        %run_scoped3A = tpu.sem_alloc : memref<!tpu.dma_semaphore, #tpu.memory_space<semaphore_mem>>
        %dma_start3A_441 = arith.constant 0 : i32
        %dma_start3A_442 = tpu.memref_slice %arg6[%arg0, %dma_start3A_441] : memref<2x16xi32, #tpu.memory_space<hbm>> -> memref<1x16xi32, #tpu.memory_space<hbm>>
        %dma_start3A_443 = tpu.memref_squeeze %dma_start3A_442 : memref<1x16xi32, #tpu.memory_space<hbm>> -> memref<16xi32, #tpu.memory_space<hbm>>
        %dma_start3A_444 = arith.constant 0 : i32
        %dma_start3A_445 = tpu.memref_slice %arg6[%arg0, %dma_start3A_444] : memref<2x16xi32, #tpu.memory_space<hbm>> -> memref<1x16xi32, #tpu.memory_space<hbm>>
        %dma_start3A_446 = tpu.memref_squeeze %dma_start3A_445 : memref<1x16xi32, #tpu.memory_space<hbm>> -> memref<16xi32, #tpu.memory_space<hbm>>
        tpu.enqueue_dma source(%arg13 : memref<16xi32, #tpu.memory_space<vmem>>) target(%dma_start3A_446 : memref<16xi32, #tpu.memory_space<hbm>>) target_semaphore(%run_scoped3A : memref<!tpu.dma_semaphore, #tpu.memory_space<semaphore_mem>>)
        %dma_wait3A_447 = arith.constant 0 : i32
        %dma_wait3A_448 = tpu.memref_slice %arg6[%arg0, %dma_wait3A_447] : memref<2x16xi32, #tpu.memory_space<hbm>> -> memref<1x16xi32, #tpu.memory_space<hbm>>
        %dma_wait3A_449 = tpu.memref_squeeze %dma_wait3A_448 : memref<1x16xi32, #tpu.memory_space<hbm>> -> memref<16xi32, #tpu.memory_space<hbm>>
        %dma_wait3A_450 = arith.constant 0 : i32
        %dma_wait3A_451 = tpu.memref_slice %arg6[%arg0, %dma_wait3A_450] : memref<2x16xi32, #tpu.memory_space<hbm>> -> memref<1x16xi32, #tpu.memory_space<hbm>>
        %dma_wait3A_452 = tpu.memref_squeeze %dma_wait3A_451 : memref<1x16xi32, #tpu.memory_space<hbm>> -> memref<16xi32, #tpu.memory_space<hbm>>
        tpu.wait_dma2 semaphore(%run_scoped3A : memref<!tpu.dma_semaphore, #tpu.memory_space<semaphore_mem>>) src(%arg13 : memref<16xi32, #tpu.memory_space<vmem>>) dst(%dma_wait3A_452 : memref<16xi32, #tpu.memory_space<hbm>>)
        tpu.yield
      }) : () -> ()
    } else {
    }
    return
  }
}

module attributes {stable_mosaic.version = 14 : i64} {
  func.func @_fin_body(%arg0: memref<2x16xi32, #tpu.memory_space<vmem>>, %arg1: memref<2xi32, #tpu.memory_space<smem>>) attributes {dimension_semantics = [], scalar_prefetch = 0 : i64, scratch_operands = 0 : i64, tpu.core_type = #tpu.core_type<tc>} {
    %get3A = arith.constant 0 : index
    %get3A_0 = arith.constant 0 : index
    %get3A_1 = vector.load %arg0[%get3A, %get3A_0] : memref<2x16xi32, #tpu.memory_space<vmem>>, vector<2x16xi32>
    %reduce_max3A = vector.shape_cast %get3A_1 : vector<2x16xi32> to vector<1x2x16xi32>
    %reduce_max3A_2 = arith.constant dense<-2147483648> : vector<1xi32>
    %reduce_max3A_3 = vector.multi_reduction <maxsi>, %reduce_max3A, %reduce_max3A_2 [1, 2] : vector<1x2x16xi32> to vector<1xi32>
    %reduce_max3A_4 = vector.shape_cast %reduce_max3A_3 : vector<1xi32> to vector<1x1x1xi32>
    %reduce_max3A_5 = vector.extract %reduce_max3A_4[0, 0, 0] : i32 from vector<1x1x1xi32>
    %add3A = arith.constant 1 : i32
    %add3A_6 = arith.addi %reduce_max3A_5, %add3A : i32
    %swap3A = arith.constant 0 : index
    %swap3A_7 = memref.load %arg1[%swap3A] : memref<2xi32, #tpu.memory_space<smem>>
    memref.store %add3A_6, %arg1[%swap3A] : memref<2xi32, #tpu.memory_space<smem>>
    %swap3A_8 = arith.constant 1 : index
    %swap3A_9 = memref.load %arg1[%swap3A_8] : memref<2xi32, #tpu.memory_space<smem>>
    memref.store %add3A_6, %arg1[%swap3A_8] : memref<2xi32, #tpu.memory_space<smem>>
    return
  }
}

</mosaic_0001>

<sc_bundles>
// kernel: kernel.4.cloned.1.call-start
scs
__scs_entry_jumppad:
0x0: {  	(pc) =	sbr.rel $0x88, $3  }
0x1: {  	(tag) =	ssettag $0x0;
	lr =	simm.s32 $0x1  }
0x2: {  	[smem:$0x3F9F] =	sst lr;
	_ =	strace $0xD0000000  }
0x3: {  	_ = 	snop  }
0x4: {  	_ = 	snop  }
0x5: {  	_ = 	snop  }
0x6: {  	_ = 	snop  }
0x7: {  	_ = 	snop  }
__scs_overlays_trampoline_lowered:
0x8: {  	[smem:$0x3FAE] =	sst s0  }
0x9: {  	[smem:$0x3FAF] =	sst s1  }
0xa: {  	[smem:$0x3FB0] =	sst s2  }
0xb: {  	[smem:$0x3FB1] =	sst s3  }
0xc: {  	[smem:$0x3FB2] =	sst s4  }
0xd: {  	[smem:$0x3FB3] =	sst s5  }
0xe: {  	[smem:$0x3FB4] =	sst s6  }
0xf: {  	[smem:$0x3FB5] =	sst s7  }
0x10: {  	[smem:$0x3FB6] =	sst s8  }
0x11: {  	[smem:$0x3FB7] =	sst s9;
	s0 =	simm.s32 @!p0 $0x0  }
0x12: {  	s1 =	sld [smem:$0x3F9D];
	s0 =	simm.s32 @p0 $0x1  }
0x13: {  	[smem:$0x3FB8] =	sst s0;
	s0 =	simm.s32 @!p1 $0x0  }
0x14: {  	s2 =	sld [smem:$0x3F9C];
	s0 =	simm.s32 @p1 $0x1  }
0x15: {  	[smem:$0x3FB9] =	sst s0;
	s0 =	simm.s32 @!p2 $0x0  }
0x16: {  	s3 =	sld [smem:$0x3FDB];
	s0 =	simm.s32 @p2 $0x1  }
0x17: {  	s4 =	simm.s32 $0x1BF5;
	[smem:$0x3FBB] =	sst s0  }
0x18: {  	s0 =	sld [smem:$0x3F9E];
	_ =	swait.ge [sflag:s4], $0x0  }
0x19: {  	s7 =	sld [smem:$0x3F9F]  }
0x1a: {  	s8 =	sadd.s32 $0xFFFFE003, lr  }
0x1b: {  	s9 =	sadd.s32 $0xFFFFFEF7, lr;
	s5 =	simm.s32 $0xFFFFFFFF;
	p2 =	slt.u32 s8, $0xFFFFF086  }
0x1c: {  	p1 =	slt.u32 s9, $0xF7A;
	s5 =	simm.s32 @!p2 $0x0  }
0x1d: {  	s5 =	simm.s32 @p1 $0x1;
	p0 =	seq.s32 s7, s2  }
0x1e: {  	s7 =	smul.u32 @!p0 $0xF7A, s2;
	p2 =	seq.s32 @!p0 s5, $0x0  }
0x1f: {  	s9 =	smul.u32 $0xF7A, s1;
	s8 =	simm.s32 @!p0 $0x1BF5;
	p2 =	por !p2, p0  }
0x20: {  	[sflag:s8] =	ssyncset.s32 @!p0 $0xFFFFF086;
	s6 =	sadd.s32 @!p0 s3, s7;
	s7 =	simm.s32 @!p0 $0x108  }
0x21: {  	s3 =	sadd.s32 s3, s9;
	s6 =	sadd.s32 @!p0 $0x88, s6;
	s7 =	simm.s32 @p2 $0x1082  }
0x22: {  	[simem:s7], [sflag:s8] =	dma.local @!p0 [hbm:s6], $0xF7A  }
0x23: {  	s9 =	sor.u32 $0xD0000000, s2;
	s6 =	simm.s32 $0x108;
	_ =	swait.ge @!p0 [sflag:s8], $0x0  }
0x24: {  	s3 =	sadd.s32 $0x88, s3;
	s6 =	simm.s32 @!p1 $0x1082;
	[sflag:s4] =	ssyncset.s32 $0xFFFFF086  }
0x25: {  	[simem:s6], [sflag:s4] =	dma.local [hbm:s3], $0xF7A  }
0x26: {  	[smem:$0x3F9F] =	sst s1;
	(tag) =	ssettag s2;
	_ =	strace s9  }
0x27: {  	s1 =	sld [smem:$0x3FAF]  }
0x28: {  	s2 =	sld [smem:$0x3FB0]  }
0x29: {  	s4 =	sld [smem:$0x3FB2]  }
0x2a: {  	p0 =	seq.s32 s5, $0x0;
	s5 =	sld [smem:$0x3FB3]  }
0x2b: {  	s6 =	sld [smem:$0x3FB4]  }
0x2c: {  	s7 =	sld [smem:$0x3FB5]  }
0x2d: {  	s3 =	simm.s32 $0x108;
	s8 =	sld [smem:$0x3FB6]  }
0x2e: {  	s3 =	simm.s32 @!p0 $0x1082;
	s9 =	sld [smem:$0x3FB7]  }
0x2f: {  	lr =	sadd.s32 s0, s3;
	s0 =	sld [smem:$0x3FAE]  }
0x30: {  	s3 =	sld [smem:$0x3FB1]  }
0x31: {  	[smem:$0x3FBA] =	sst s10  }
0x32: {  	s10 =	sld [smem:$0x3FB8];
	_ =	sdelay $0x3  }
0x33: {  	p0 =	seq.s32 s10, $0x1;
	s10 =	sld [smem:$0x3FBA];
	_ =	sdelay $0x3  }
0x34: {  	[smem:$0x3FBA] =	sst s10  }
0x35: {  	s10 =	sld [smem:$0x3FB9];
	_ =	sdelay $0x3  }
0x36: {  	p1 =	seq.s32 s10, $0x1;
	s10 =	sld [smem:$0x3FBA];
	_ =	sdelay $0x3  }
0x37: {  	[smem:$0x3FBA] =	sst s10  }
0x38: {  	s10 =	sld [smem:$0x3FBB]  }
0x39: {  	_ = 	snop;
	(pc) =	sbr.ind lr, $3  }
0x3a: {  	_ = 	snop  }
0x3b: {  	_ = 	snop  }
0x3c: {  	p2 =	seq.s32 s10, $0x1;
	s10 =	sld [smem:$0x3FBA]  }
0x3d: {  	_ =	shalt  }
0x3e: {  	_ =	shalt  }
0x3f: {  	_ =	shalt  }
0x40: {  	_ =	shalt  }
0x41: {  	_ =	shalt  }
0x42: {  	_ =	shalt  }
0x43: {  	_ =	shalt  }
0x44: {  	_ =	shalt  }
0x45: {  	_ =	shalt  }
0x46: {  	_ =	shalt  }
0x47: {  	_ =	shalt  }
0x48: {  	_ =	shalt  }
0x49: {  	_ =	shalt  }
0x4a: {  	_ =	shalt  }
0x4b: {  	_ =	shalt  }
0x4c: {  	_ =	shalt  }
0x4d: {  	_ =	shalt  }
0x4e: {  	_ =	shalt  }
0x4f: {  	_ =	shalt  }
0x50: {  	_ =	shalt  }
0x51: {  	_ =	shalt  }
0x52: {  	_ =	shalt  }
0x53: {  	_ =	shalt  }
0x54: {  	_ =	shalt  }
0x55: {  	_ =	shalt  }
0x56: {  	_ =	shalt  }
0x57: {  	_ =	shalt  }
0x58: {  	_ =	shalt  }
0x59: {  	_ =	shalt  }
0x5a: {  	_ =	shalt  }
0x5b: {  	_ =	shalt  }
0x5c: {  	_ =	shalt  }
0x5d: {  	_ =	shalt  }
0x5e: {  	_ =	shalt  }
0x5f: {  	_ =	shalt  }
0x60: {  	_ =	shalt  }
0x61: {  	_ =	shalt  }
0x62: {  	_ =	shalt  }
0x63: {  	_ =	shalt  }
0x64: {  	_ =	shalt  }
0x65: {  	_ =	shalt  }
0x66: {  	_ =	shalt  }
0x67: {  	_ =	shalt  }
0x68: {  	_ =	shalt  }
0x69: {  	_ =	shalt  }
0x6a: {  	_ =	shalt  }
0x6b: {  	_ =	shalt  }
0x6c: {  	_ =	shalt  }
0x6d: {  	_ =	shalt  }
0x6e: {  	_ =	shalt  }
0x6f: {  	_ =	shalt  }
0x70: {  	_ =	shalt  }
0x71: {  	_ =	shalt  }
0x72: {  	_ =	shalt  }
0x73: {  	_ =	shalt  }
0x74: {  	_ =	shalt  }
0x75: {  	_ =	shalt  }
0x76: {  	_ =	shalt  }
0x77: {  	_ =	shalt  }
0x78: {  	_ =	shalt  }
0x79: {  	_ =	shalt  }
0x7a: {  	_ =	shalt  }
0x7b: {  	_ =	shalt  }
0x7c: {  	_ =	shalt  }
0x7d: {  	_ =	shalt  }
0x7e: {  	_ =	shalt  }
0x7f: {  	_ =	shalt  }
0x80: {  	_ =	shalt  }
0x81: {  	_ =	shalt  }
0x82: {  	_ =	shalt  }
0x83: {  	_ =	shalt  }
0x84: {  	_ =	shalt  }
0x85: {  	_ =	shalt  }
0x86: {  	_ =	shalt  }
0x87: {  	_ =	shalt  }
.Lfunc_end0:
.L_simem_size_0:
called_computation_lowered:
.L_overlay_start_0:
0x88: {  	s2 =	sld [smem:$0x3FD9]  }
0x89: {  	s3 =	sld [smem:$0x3FFE];
	_ =	sdelay $0x1  }
0x8a: {  	s1 =	srdreg.scid  }
0x8b: {  	s0 =	sand.u32 $0x1, s1  }
0x8c: {  	s14 =	sshll.u32 s0, $0xA;
	s2 =	sadd.s32 s3, s2  }
0x8d: {  	s2 =	sadd.s32 s2, s14  }
0x8e: {  	[smem:$0x3FC6] =	sst s2  }
0x8f: {  	_ = 	snop  }
0x90: {  	s2 =	sld [smem:$0x3FD0];
	_ =	sdelay $0x2  }
0x91: {  	s4 =	simm.s32 $0xA;
	s5 =	simm.s32 $0x10;
	s15 =	sld [smem:$0x3FC8]  }
0x92: {  	[smem:s5], [sflag:s4] =	dma.local [hbm:s2], $0x1  }
0x93: {  	_ =	swait.eq [sflag:s4], $0x1  }
0x94: {  	s16 =	sld [smem:$0x10];
	[sflag:s4] =	ssyncset.done $0x0  }
0x95: {  	s17 =	sld [smem:$0x11];
	[sflag:s4] =	ssyncadd.s32 $0xFFFFFFFF  }
0x96: {  	s18 =	sld [smem:$0x12];
	(tm) =	ssettm $0x1  }
0x97: {  	s6 =	sld [smem:$0x3FFB];
	_ =	sdelay $0x3  }
0x98: {  	_ =	strace s6  }
0x99: {  	s6 =	sld [smem:$0x3FFC];
	_ =	sdelay $0x3  }
0x9a: {  	_ =	strace s6  }
0x9b: {  	s6 =	sld [smem:$0x3FFD];
	_ =	sdelay $0x3  }
0x9c: {  	_ =	strace s6  }
0x9d: {  	_ =	strace $0x8FFFFFFF  }
0x9e: {  	s19 =	sld [smem:$0x3FDB];
	_ =	sdelay $0x1  }
0x9f: {  	s7 =	simm.s32 $_scs_section_size  }
0xa0: {  	s8 =	simm.s32 $_size__tile_overlayer_lowered;
	s9 =	simm.s32 $_tile_overlayer_lowered  }
0xa1: {  	s22 =	simm.s32 $0x1BFF;
	s21 =	sshll.u32 s9, $0x1;
	s6 =	sadd.s32 s7, s19  }
0xa2: {  	s10 =	simm.s32 $0x0;
	s20 =	sshll.u32 s8, $0x1;
	s8 =	sadd.s32 s21, s6  }
0xa3: {  	[timem:s10], [sflag:s22] =	dma.local [hbm:s8], s20  }
0xa4: {  	_ =	swait.ge [sflag:s22], s20  }
0xa5: {  	s7 =	ssub.s32 $0x0, s20;
	[sflag:s22] =	ssyncset.done $0x0  }
0xa6: {  	[sflag:s22] =	ssyncadd.s32 s7;
	_ =	sdelay $0x1  }
0xa7: {  	s23 =	simm.s32 $0x1B8B  }
0xa8: {  	_ =	swait.ge [sflag:s23], $0x1  }
0xa9: {  	[sflag:s23] =	ssyncset.done $0x0  }
0xaa: {  	s25 =	simm.s32 $0x1B8E;
	s24 =	sld [smem:$0x3FFE];
	[sflag:s23] =	ssyncadd.s32 $0xFFFFFFFF  }
0xab: {  	s26 =	simm.s32 $execute0_lowered;
	[smem:$0x3FD2] =	sst s25  }
0xac: {  	s8 =	sshll.u32 s26, $0x1;
	_ =	strace $0x80000046;
	[dreg:$0x1] =	wrdreg $0xFFFFFFFF  }
0xad: {  	s28 =	simm.s32 $_size_execute0_lowered;
	s6 =	sadd.s32 s6, s8;
	[dreg:$0x0] =	wrdreg $0x0  }
0xae: {  	s8 =	sshll.u32 s28, $0x1;
	[dreg:$0x2] =	wrdreg s6  }
0xaf: {  	[dreg:$0x3] =	wrdreg s8  }
0xb0: {  	[dreg:$0x4] =	wrdreg $0xC0  }
0xb1: {  	_ =	task [dreg:s10], $0x5FFFF  }
0xb2: {  	[dreg:$0x1] =	wrdreg $0xFFFFFFFF  }
0xb3: {  	[dreg:$0x0] =	wrdreg $0x60  }
0xb4: {  	[dreg:$0x2] =	wrdreg s24  }
0xb5: {  	[dreg:$0x3] =	wrdreg s15  }
0xb6: {  	[dreg:$0x4] =	wrdreg s16  }
0xb7: {  	[dreg:$0x5] =	wrdreg s17  }
0xb8: {  	[dreg:$0x6] =	wrdreg s18  }
0xb9: {  	[dreg:$0x7] =	wrdreg $0xEB800  }
0xba: {  	[dreg:$0x8] =	wrdreg $0x9  }
0xbb: {  	_ =	task.clear_ibuf [dreg:s10], $0x9FFFF;
	_ =	strace $0x90000046  }
0xbc: {  	s29 =	simm.s32 $0x9;
	_ =	strace $0x80000048  }
0xbd: {  	_ =	swait.ge [sflag:s29], $0x1  }
0xbe: {  	[sflag:s29] =	ssyncadd.s32 $0xFFFFFFFF  }
0xbf: {  	_ =	strace $0x90000048  }
0xc0: {  	_ =	sfence  }
0xc1: {  	s30 =	sld [smem:$0x0];
	_ =	sdelay $0x2  }
0xc2: {  	s31 =	sshll.u32 s1, $0xD;
	s1 =	sshrl.u32 s1, $0x2  }
0xc3: {  	s3 =	sand.u32 $0x4000, s31;
	s1 =	sadd.s32 s1, s30  }
0xc4: {  	s0 =	sor.u32 s3, s0;
	s1 =	sshll.u32 s1, $0x11  }
0xc5: {  	s0 =	sor.u32 s1, s0  }
0xc6: {  	s0 =	sadd.s32 $0x8F2B, s0  }
0xc7: {  	[sflag:s0] =	ssyncadd.remote.s32 $0x1  }
0xc8: {  	_ =	sfence.sel $0xFFFF  }
0xc9: {  	[dreg:$0x0] =	wrdreg $0xFFFFFFFF;
	(pc) =	sbr.abs _section_cstart, $3  }
0xca: {  	[dreg:$0x1] =	wrdreg $0xFFFFFFFF  }
0xcb: {  	_ =	task.clear_ibuf [dreg:s10], $0x2FFFF;
	_ =	strace $0x9FFFFFFF  }
0xcc: {  	(tm) =	ssettm $0x7FFFFFFF  }
0xcd: {  	_ =	shalt  }
tec
execute0_lowered:
.L_overlay_start_1:
0x0: {  	(tag) =	ssettag $0x1  }
0x1: {  	s0 =	rddreg [dreg:$0x0]  }
0x2: {  	s2 =	rddreg [dreg:$0x1]  }
0x3: {  	s3 =	rddreg [dreg:$0x2]  }
0x4: {  	s6 =	rddreg [dreg:$0x3]  }
0x5: {  	s1 =	srdreg.scid;
	s7 =	rddreg [dreg:$0x4]  }
0x6: {  	s4 =	stileid.u32;
	s24 =	rddreg [dreg:$0x5];
	s28 =	simm.s32 $0x4E20  }
0x7: {  	s29 =	simm.s32 $0xC350;
	s30 =	simm.s32 $0x5;
	s1 =	sand.u32 $0x1, s1  }
0x8: {  	s31 =	simm.s32 $0x1;
	s0 =	sadd.s32 $0x800, s0;
	s5 =	sshll.u32 s1, $0x4  }
0x9: {  	s26 =	sshll.u32 s4, $0x4;
	p0 =	sne.s32 s4, $0x0;
	s5 =	sor.u32 s4, s5  }
0xa: {  	s9 =	ssub.s32 $0x2, s1;
	s25 =	sshll.u32 s1, $0x1;
	s8 =	smul.u32 $0x186A0, s5  }
0xb: {  	s24 =	sadd.s32 s26, s24;
	s26 =	simm.s32 $0x9C40;
	s5 =	smul.u32 $0xC350, s5  }
0xc: {  	s1 =	simm.s32 $0x6;
	s10 =	sshrl.u32 s9, $0x1;
	s4 =	simm.s32 $0x8  }
0xd: {  	s17 =	ssub.s32 s9, s10;
	s8 =	sshrl.u32 s8, $0x3;
	s5 =	sshrl.u32 s5, $0x3  }
0xe: {  	s13 =	sadd.s32 s0, s8;
	s14 =	sadd.s32 s2, s5;
	s15 =	sadd.s32 $0x9C4, s8  }
0xf: {  	s16 =	sadd.s32 $0x4E2, s5;
	s19 =	sadd.s32 s6, s5;
	[dreg:$0x7] =	wrdreg s13  }
0x10: {  	s20 =	sadd.s32 s3, s8;
	s12 =	sadd.s32 $0x9C4, s5;
	[dreg:$0x8] =	wrdreg s14  }
0x11: {  	s23 =	sadd.s32 $0x2710, s8;
	s11 =	sadd.s32 s0, s15;
	[dreg:$0xb] =	wrdreg s19  }
0x12: {  	s18 =	sadd.s32 s2, s16;
	[dreg:$0xc] =	wrdreg s20;
	s22 =	sadd.s32 s2, s12  }
0x13: {  	s9 =	sadd.s32 s6, s16;
	s10 =	sadd.s32 s3, s15;
	[dreg:$0x9] =	wrdreg s11  }
0x14: {  	s20 =	sadd.s32 $0x1D4C, s8;
	s14 =	sadd.s32 $0xEA6, s5;
	[dreg:$0xa] =	wrdreg s18  }
0x15: {  	s12 =	sadd.s32 s6, s12;
	s5 =	sadd.s32 $0x1388, s5;
	[dreg:$0xe] =	wrdreg s22  }
0x16: {  	s19 =	sadd.s32 s0, s23;
	s18 =	sadd.s32 $0x1388, s8;
	[dreg:$0xf] =	wrdreg s9  }
0x17: {  	s11 =	sadd.s32 s2, s14;
	s13 =	sadd.s32 s2, s5;
	s14 =	sadd.s32 s6, s14  }
0x18: {  	s15 =	sadd.s32 s6, s5;
	s16 =	sadd.s32 s0, s20;
	s20 =	sadd.s32 s3, s20  }
0x19: {  	s22 =	simm.s32 $0x0;
	s2 =	simm.s32 $0x2;
	s5 =	simm.s32 $0x9  }
0x1a: {  	s6 =	simm.s32 $0x0;
	s21 =	sadd.s32 s0, s18;
	[smem:$0x7FF] =	sst s22  }
0x1b: {  	s18 =	sadd.s32 s3, s18;
	s0 =	simm.s32 $0x7;
	[dreg:$0xd] =	wrdreg s21  }
0x1c: {  	s21 =	sadd.s32 s3, s23;
	s23 =	sadd.s32 s7, s25;
	s25 =	smax.u32 s17, $0x1  }
0x1d: {  	v0 =	vimm.s32 $0x80000000;
	s17 =	simm.s32 $0x3;
	s3 =	simm.s32 $0x4;
	_ =	strace $0x80000047  }
.LBB2_1:
0x1e: {  	[tilespmem:$0xEA60] =	vst v0;
	s7 =	rddreg [dreg:$0x7]  }
0x1f: {  	[tilespmem:s22], [sflag:$0x1] =	stream.linear.gather [hbm4b:s7+s22], $0x4E20, $0x38;
	[tilespmem:$0xEB90] =	vst v63  }
0x20: {  	s8 =	rddreg [dreg:$0x8]  }
0x21: {  	[tilespmem:s26], [sflag:$0x5] =	stream.linear.gather [hbm4b:s8+s22], $0x2710, $0x38;
	[tilespmem:$0xEB90] =	vst v63  }
0x22: {  	s9 =	rddreg [dreg:$0x9]  }
0x23: {  	[tilespmem:s28], [sflag:$0x2] =	stream.linear.gather [hbm4b:s9+s22], $0x4E20, $0x38;
	[tilespmem:$0xEB90] =	vst v63  }
0x24: {  	s8 =	rddreg [dreg:$0xa]  }
0x25: {  	[tilespmem:s29], [sflag:$0x6] =	stream.linear.gather [hbm4b:s8+s22], $0x2710, $0x38;
	[tilespmem:$0xEB90] =	vst v63  }
0x26: {  	_ =	swait.ge [sflag:s30], $0x2710  }
0x27: {  	[sflag:s30] =	ssyncset.done $0x0  }
0x28: {  	s9 =	rddreg [dreg:$0xb];
	[sflag:s30] =	ssyncadd.s32 $0xFFFFD8F0  }
0x29: {  	[hbm4b:s9+s22] =	stream.linear.scatter [tilespmem:s26], [sflag:$0x7], $0x2710, $0x38;
	[tilespmem:$0xEB90] =	vst v63  }
0x2a: {  	_ =	swait.ge [sflag:s31], $0x4E20  }
0x2b: {  	[sflag:s31] =	ssyncset.done $0x0  }
0x2c: {  	[sflag:s31] =	ssyncadd.s32 $0xFFFFB1E0  }
0x2d: {  	s8 =	simm.s32 $0x40;
	v1 =	vld [tilespmem:$0xEA60]  }
0x2e: {  	v2 =	vld [tilespmem:s8+$0xFFFFFFC0];
	_ =	sdelay $0x1  }
0x2f: {  	v3 =	vld [tilespmem:s8+$0xFFFFFFD0];
	_ =	sdelay $0x1  }
0x30: {  	v4 =	vld [tilespmem:s8+$0xFFFFFFE0]  }
0x31: {  	vm0 =	vgt.s32 v1, v2  }
0x32: {  	v1 =	vsel vm0, v1, v2;
	v2 =	vld [tilespmem:s8+$0xFFFFFFF0]  }
0x33: {  	vm0 =	vgt.s32 v1, v3  }
0x34: {  	v1 =	vsel vm0, v1, v3;
	v3 =	vld [tilespmem:s8+$0x0]  }
0x35: {  	vm0 =	vgt.s32 v1, v4  }
0x36: {  	v4 =	vsel vm0, v1, v4;
	v1 =	vld [tilespmem:s8+$0x10]  }
0x37: {  	vm0 =	vgt.s32 v4, v2  }
0x38: {  	v4 =	vsel vm0, v4, v2;
	v2 =	vld [tilespmem:s8+$0x20]  }
0x39: {  	vm0 =	vgt.s32 v4, v3  }
0x3a: {  	v4 =	vsel vm0, v4, v3;
	v3 =	vld [tilespmem:s8+$0x30]  }
0x3b: {  	s7 =	simm.s32 $0x0;
	s8 =	simm.s32 $0xC0;
	vm0 =	vgt.s32 v4, v1  }
.LBB2_2:
0x3c: {  	v5 =	vld [tilespmem:s8+$0xFFFFFFC0];
	s7 =	sadd.s32 $0x8, s7;
	v1 =	vsel vm0, v4, v1  }
0x3d: {  	p1 =	slt.u32 s7, $0x4D8;
	vm0 =	vgt.s32 v1, v2  }
0x3e: {  	v4 =	vld [tilespmem:s8+$0xFFFFFFD0];
	v1 =	vsel vm0, v1, v2  }
0x3f: {  	vm0 =	vgt.s32 v1, v3  }
0x40: {  	v2 =	vld [tilespmem:s8+$0xFFFFFFE0];
	v1 =	vsel vm0, v1, v3  }
0x41: {  	vm0 =	vgt.s32 v1, v5  }
0x42: {  	v1 =	vsel vm0, v1, v5;
	v3 =	vld [tilespmem:s8+$0xFFFFFFF0]  }
0x43: {  	vm0 =	vgt.s32 v1, v4  }
0x44: {  	v1 =	vsel vm0, v1, v4;
	v4 =	vld [tilespmem:s8+$0x0]  }
0x45: {  	vm0 =	vgt.s32 v1, v2  }
0x46: {  	v2 =	vsel vm0, v1, v2;
	v1 =	vld [tilespmem:s8+$0x10]  }
.Ltmp0:
0x47: {  	vm0 =	vgt.s32 v2, v3;
	(pc) =	sbr.rel @p1 .LBB2_2-.Ltmp0, $4  }
0x48: {  	v3 =	vsel vm0, v2, v3;
	v2 =	vld [tilespmem:s8+$0x20]  }
0x49: {  	vm0 =	vgt.s32 v3, v4  }
0x4a: {  	v4 =	vsel vm0, v3, v4;
	v3 =	vld [tilespmem:s8+$0x30]  }
0x4b: {  	s8 =	sadd.s32 $0x80, s8;
	vm0 =	vgt.s32 v4, v1  }
0x4c: {  	v1 =	vsel vm0, v4, v1;
	v4 =	vld [tilespmem:$0x4E00]  }
0x4d: {  	vm0 =	vgt.s32 v1, v2  }
0x4e: {  	v1 =	vsel vm0, v1, v2;
	v2 =	vld [tilespmem:$0x4E10]  }
0x4f: {  	vm0 =	vgt.s32 v1, v3  }
0x50: {  	v1 =	vsel vm0, v1, v3  }
0x51: {  	vm0 =	vgt.s32 v1, v4  }
0x52: {  	v1 =	vsel vm0, v1, v4  }
0x53: {  	vm0 =	vgt.s32 v1, v2  }
0x54: {  	v1 =	vsel vm0, v1, v2  }
0x55: {  	s7 =	rddreg [dreg:$0xc];
	[tilespmem:$0xEA60] =	vst v1  }
0x56: {  	[hbm4b:s7+s22] =	stream.linear.scatter [tilespmem:s22], [sflag:$0x3], $0x4E20, $0x38;
	[tilespmem:$0xEB90] =	vst v63  }
0x57: {  	_ =	swait.ge [sflag:s17], $0x4E20  }
0x58: {  	[sflag:s17] =	ssyncset.done $0x0  }
0x59: {  	[sflag:s17] =	ssyncadd.s32 $0xFFFFB1E0  }
0x5a: {  	_ =	swait.ge [sflag:s0], $0x2710  }
0x5b: {  	[sflag:s0] =	ssyncset.done $0x0  }
0x5c: {  	s9 =	rddreg [dreg:$0xd];
	[sflag:s0] =	ssyncadd.s32 $0xFFFFD8F0  }
0x5d: {  	[tilespmem:s22], [sflag:$0x1] =	stream.linear.gather [hbm4b:s9+s22], $0x4E20, $0x38;
	[tilespmem:$0xEB90] =	vst v63  }
0x5e: {  	s8 =	rddreg [dreg:$0xe]  }
0x5f: {  	[tilespmem:s26], [sflag:$0x5] =	stream.linear.gather [hbm4b:s8+s22], $0x2710, $0x38;
	[tilespmem:$0xEB90] =	vst v63  }
0x60: {  	_ =	swait.ge [sflag:s1], $0x2710  }
0x61: {  	[sflag:s1] =	ssyncset.done $0x0  }
0x62: {  	s9 =	rddreg [dreg:$0xf];
	[sflag:s1] =	ssyncadd.s32 $0xFFFFD8F0  }
0x63: {  	[hbm4b:s9+s22] =	stream.linear.scatter [tilespmem:s29], [sflag:$0x8], $0x2710, $0x38;
	[tilespmem:$0xEB90] =	vst v63  }
0x64: {  	_ =	swait.ge [sflag:s2], $0x4E20  }
0x65: {  	[sflag:s2] =	ssyncset.done $0x0  }
0x66: {  	[sflag:s2] =	ssyncadd.s32 $0xFFFFB1E0  }
0x67: {  	s8 =	simm.s32 $0x4E60;
	v1 =	vld [tilespmem:$0xEA60]  }
0x68: {  	v2 =	vld [tilespmem:s8+$0xFFFFFFC0];
	_ =	sdelay $0x1  }
0x69: {  	v3 =	vld [tilespmem:s8+$0xFFFFFFD0];
	_ =	sdelay $0x1  }
0x6a: {  	v4 =	vld [tilespmem:s8+$0xFFFFFFE0]  }
0x6b: {  	vm0 =	vgt.s32 v1, v2  }
0x6c: {  	v1 =	vsel vm0, v1, v2;
	v2 =	vld [tilespmem:s8+$0xFFFFFFF0]  }
0x6d: {  	vm0 =	vgt.s32 v1, v3  }
0x6e: {  	v1 =	vsel vm0, v1, v3;
	v3 =	vld [tilespmem:s8+$0x0]  }
0x6f: {  	vm0 =	vgt.s32 v1, v4  }
0x70: {  	v4 =	vsel vm0, v1, v4;
	v1 =	vld [tilespmem:s8+$0x10]  }
0x71: {  	vm0 =	vgt.s32 v4, v2  }
0x72: {  	v4 =	vsel vm0, v4, v2;
	v2 =	vld [tilespmem:s8+$0x20]  }
0x73: {  	vm0 =	vgt.s32 v4, v3  }
0x74: {  	v4 =	vsel vm0, v4, v3;
	v3 =	vld [tilespmem:s8+$0x30]  }
0x75: {  	s7 =	simm.s32 $0x0;
	s8 =	simm.s32 $0x4EE0;
	vm0 =	vgt.s32 v4, v1  }
.LBB2_4:
0x76: {  	v5 =	vld [tilespmem:s8+$0xFFFFFFC0];
	s7 =	sadd.s32 $0x8, s7;
	v1 =	vsel vm0, v4, v1  }
0x77: {  	p1 =	slt.u32 s7, $0x4D8;
	vm0 =	vgt.s32 v1, v2  }
0x78: {  	v4 =	vld [tilespmem:s8+$0xFFFFFFD0];
	v1 =	vsel vm0, v1, v2  }
0x79: {  	vm0 =	vgt.s32 v1, v3  }
0x7a: {  	v2 =	vld [tilespmem:s8+$0xFFFFFFE0];
	v1 =	vsel vm0, v1, v3  }
0x7b: {  	vm0 =	vgt.s32 v1, v5  }
0x7c: {  	v1 =	vsel vm0, v1, v5;
	v3 =	vld [tilespmem:s8+$0xFFFFFFF0]  }
0x7d: {  	vm0 =	vgt.s32 v1, v4  }
0x7e: {  	v1 =	vsel vm0, v1, v4;
	v4 =	vld [tilespmem:s8+$0x0]  }
0x7f: {  	vm0 =	vgt.s32 v1, v2  }
0x80: {  	v2 =	vsel vm0, v1, v2;
	v1 =	vld [tilespmem:s8+$0x10]  }
.Ltmp1:
0x81: {  	vm0 =	vgt.s32 v2, v3;
	(pc) =	sbr.rel @p1 .LBB2_4-.Ltmp1, $4  }
0x82: {  	v3 =	vsel vm0, v2, v3;
	v2 =	vld [tilespmem:s8+$0x20]  }
0x83: {  	vm0 =	vgt.s32 v3, v4  }
0x84: {  	v4 =	vsel vm0, v3, v4;
	v3 =	vld [tilespmem:s8+$0x30]  }
0x85: {  	s8 =	sadd.s32 $0x80, s8;
	vm0 =	vgt.s32 v4, v1  }
0x86: {  	v1 =	vsel vm0, v4, v1;
	v4 =	vld [tilespmem:$0x9C20]  }
0x87: {  	vm0 =	vgt.s32 v1, v2  }
0x88: {  	v1 =	vsel vm0, v1, v2;
	v2 =	vld [tilespmem:$0x9C30]  }
0x89: {  	vm0 =	vgt.s32 v1, v3  }
0x8a: {  	v1 =	vsel vm0, v1, v3  }
0x8b: {  	vm0 =	vgt.s32 v1, v4  }
0x8c: {  	v1 =	vsel vm0, v1, v4  }
0x8d: {  	vm0 =	vgt.s32 v1, v2  }
0x8e: {  	v1 =	vsel vm0, v1, v2  }
0x8f: {  	[tilespmem:$0xEA60] =	vst v1  }
0x90: {  	[hbm4b:s10+s22] =	stream.linear.scatter [tilespmem:s28], [sflag:$0x4], $0x4E20, $0x38;
	[tilespmem:$0xEB90] =	vst v63  }
0x91: {  	_ =	swait.ge [sflag:s3], $0x4E20  }
0x92: {  	[sflag:s3] =	ssyncset.done $0x0  }
0x93: {  	[sflag:s3] =	ssyncadd.s32 $0xFFFFB1E0  }
0x94: {  	_ =	swait.ge [sflag:s4], $0x2710  }
0x95: {  	[sflag:s4] =	ssyncset.done $0x0  }
0x96: {  	[sflag:s4] =	ssyncadd.s32 $0xFFFFD8F0  }
0x97: {  	[tilespmem:s28], [sflag:$0x2] =	stream.linear.gather [hbm4b:s16+s22], $0x4E20, $0x38;
	[tilespmem:$0xEB90] =	vst v63  }
0x98: {  	_ = 	snop  }
0x99: {  	[tilespmem:s29], [sflag:$0x6] =	stream.linear.gather [hbm4b:s11+s22], $0x2710, $0x38;
	[tilespmem:$0xEB90] =	vst v63  }
0x9a: {  	_ =	swait.ge [sflag:s30], $0x2710  }
0x9b: {  	[sflag:s30] =	ssyncset.done $0x0  }
0x9c: {  	[sflag:s30] =	ssyncadd.s32 $0xFFFFD8F0  }
0x9d: {  	[hbm4b:s12+s22] =	stream.linear.scatter [tilespmem:s26], [sflag:$0x7], $0x2710, $0x38;
	[tilespmem:$0xEB90] =	vst v63  }
0x9e: {  	_ =	swait.ge [sflag:s31], $0x4E20  }
0x9f: {  	[sflag:s31] =	ssyncset.done $0x0  }
0xa0: {  	[sflag:s31] =	ssyncadd.s32 $0xFFFFB1E0  }
0xa1: {  	s8 =	simm.s32 $0x40;
	v1 =	vld [tilespmem:$0xEA60]  }
0xa2: {  	v2 =	vld [tilespmem:s8+$0xFFFFFFC0];
	_ =	sdelay $0x1  }
0xa3: {  	v3 =	vld [tilespmem:s8+$0xFFFFFFD0];
	_ =	sdelay $0x1  }
0xa4: {  	v4 =	vld [tilespmem:s8+$0xFFFFFFE0]  }
0xa5: {  	vm0 =	vgt.s32 v1, v2  }
0xa6: {  	v1 =	vsel vm0, v1, v2;
	v2 =	vld [tilespmem:s8+$0xFFFFFFF0]  }
0xa7: {  	vm0 =	vgt.s32 v1, v3  }
0xa8: {  	v1 =	vsel vm0, v1, v3;
	v3 =	vld [tilespmem:s8+$0x0]  }
0xa9: {  	vm0 =	vgt.s32 v1, v4  }
0xaa: {  	v4 =	vsel vm0, v1, v4;
	v1 =	vld [tilespmem:s8+$0x10]  }
0xab: {  	vm0 =	vgt.s32 v4, v2  }
0xac: {  	v4 =	vsel vm0, v4, v2;
	v2 =	vld [tilespmem:s8+$0x20]  }
0xad: {  	vm0 =	vgt.s32 v4, v3  }
0xae: {  	v4 =	vsel vm0, v4, v3;
	v3 =	vld [tilespmem:s8+$0x30]  }
0xaf: {  	s7 =	simm.s32 $0x0;
	s8 =	simm.s32 $0xC0;
	vm0 =	vgt.s32 v4, v1  }
.LBB2_6:
0xb0: {  	v5 =	vld [tilespmem:s8+$0xFFFFFFC0];
	s7 =	sadd.s32 $0x8, s7;
	v1 =	vsel vm0, v4, v1  }
0xb1: {  	p1 =	slt.u32 s7, $0x4D8;
	vm0 =	vgt.s32 v1, v2  }
0xb2: {  	v4 =	vld [tilespmem:s8+$0xFFFFFFD0];
	v1 =	vsel vm0, v1, v2  }
0xb3: {  	vm0 =	vgt.s32 v1, v3  }
0xb4: {  	v2 =	vld [tilespmem:s8+$0xFFFFFFE0];
	v1 =	vsel vm0, v1, v3  }
0xb5: {  	vm0 =	vgt.s32 v1, v5  }
0xb6: {  	v1 =	vsel vm0, v1, v5;
	v3 =	vld [tilespmem:s8+$0xFFFFFFF0]  }
0xb7: {  	vm0 =	vgt.s32 v1, v4  }
0xb8: {  	v1 =	vsel vm0, v1, v4;
	v4 =	vld [tilespmem:s8+$0x0]  }
0xb9: {  	vm0 =	vgt.s32 v1, v2  }
0xba: {  	v2 =	vsel vm0, v1, v2;
	v1 =	vld [tilespmem:s8+$0x10]  }
.Ltmp2:
0xbb: {  	vm0 =	vgt.s32 v2, v3;
	(pc) =	sbr.rel @p1 .LBB2_6-.Ltmp2, $4  }
0xbc: {  	v3 =	vsel vm0, v2, v3;
	v2 =	vld [tilespmem:s8+$0x20]  }
0xbd: {  	vm0 =	vgt.s32 v3, v4  }
0xbe: {  	v4 =	vsel vm0, v3, v4;
	v3 =	vld [tilespmem:s8+$0x30]  }
0xbf: {  	s8 =	sadd.s32 $0x80, s8;
	vm0 =	vgt.s32 v4, v1  }
0xc0: {  	v1 =	vsel vm0, v4, v1;
	v4 =	vld [tilespmem:$0x4E00]  }
0xc1: {  	vm0 =	vgt.s32 v1, v2  }
0xc2: {  	v1 =	vsel vm0, v1, v2;
	v2 =	vld [tilespmem:$0x4E10]  }
0xc3: {  	vm0 =	vgt.s32 v1, v3  }
0xc4: {  	v1 =	vsel vm0, v1, v3  }
0xc5: {  	vm0 =	vgt.s32 v1, v4  }
0xc6: {  	v1 =	vsel vm0, v1, v4  }
0xc7: {  	vm0 =	vgt.s32 v1, v2  }
0xc8: {  	v1 =	vsel vm0, v1, v2  }
0xc9: {  	[tilespmem:$0xEA60] =	vst v1  }
0xca: {  	[hbm4b:s18+s22] =	stream.linear.scatter [tilespmem:s22], [sflag:$0x3], $0x4E20, $0x38;
	[tilespmem:$0xEB90] =	vst v63  }
0xcb: {  	_ =	swait.ge [sflag:s17], $0x4E20  }
0xcc: {  	[sflag:s17] =	ssyncset.done $0x0  }
0xcd: {  	[sflag:s17] =	ssyncadd.s32 $0xFFFFB1E0  }
0xce: {  	_ =	swait.ge [sflag:s0], $0x2710  }
0xcf: {  	[sflag:s0] =	ssyncset.done $0x0  }
0xd0: {  	[sflag:s0] =	ssyncadd.s32 $0xFFFFD8F0  }
0xd1: {  	[tilespmem:s22], [sflag:$0x1] =	stream.linear.gather [hbm4b:s19+s22], $0x4E20, $0x38;
	[tilespmem:$0xEB90] =	vst v63  }
0xd2: {  	_ = 	snop  }
0xd3: {  	[tilespmem:s26], [sflag:$0x5] =	stream.linear.gather [hbm4b:s13+s22], $0x2710, $0x38;
	[tilespmem:$0xEB90] =	vst v63  }
0xd4: {  	_ =	swait.ge [sflag:s1], $0x2710  }
0xd5: {  	[sflag:s1] =	ssyncset.done $0x0  }
0xd6: {  	[sflag:s1] =	ssyncadd.s32 $0xFFFFD8F0  }
0xd7: {  	[hbm4b:s14+s22] =	stream.linear.scatter [tilespmem:s29], [sflag:$0x8], $0x2710, $0x38;
	[tilespmem:$0xEB90] =	vst v63  }
0xd8: {  	_ =	swait.ge [sflag:s2], $0x4E20  }
0xd9: {  	[sflag:s2] =	ssyncset.done $0x0  }
0xda: {  	[sflag:s2] =	ssyncadd.s32 $0xFFFFB1E0  }
0xdb: {  	s8 =	simm.s32 $0x4E60;
	v1 =	vld [tilespmem:$0xEA60]  }
0xdc: {  	v2 =	vld [tilespmem:s8+$0xFFFFFFC0];
	_ =	sdelay $0x1  }
0xdd: {  	v3 =	vld [tilespmem:s8+$0xFFFFFFD0];
	_ =	sdelay $0x1  }
0xde: {  	v4 =	vld [tilespmem:s8+$0xFFFFFFE0]  }
0xdf: {  	vm0 =	vgt.s32 v1, v2  }
0xe0: {  	v1 =	vsel vm0, v1, v2;
	v2 =	vld [tilespmem:s8+$0xFFFFFFF0]  }
0xe1: {  	vm0 =	vgt.s32 v1, v3  }
0xe2: {  	v1 =	vsel vm0, v1, v3;
	v3 =	vld [tilespmem:s8+$0x0]  }
0xe3: {  	vm0 =	vgt.s32 v1, v4  }
0xe4: {  	v4 =	vsel vm0, v1, v4;
	v1 =	vld [tilespmem:s8+$0x10]  }
0xe5: {  	vm0 =	vgt.s32 v4, v2  }
0xe6: {  	v4 =	vsel vm0, v4, v2;
	v2 =	vld [tilespmem:s8+$0x20]  }
0xe7: {  	vm0 =	vgt.s32 v4, v3  }
0xe8: {  	v4 =	vsel vm0, v4, v3;
	v3 =	vld [tilespmem:s8+$0x30]  }
0xe9: {  	s7 =	simm.s32 $0x0;
	s8 =	simm.s32 $0x4EE0;
	vm0 =	vgt.s32 v4, v1  }
.LBB2_8:
0xea: {  	v5 =	vld [tilespmem:s8+$0xFFFFFFC0];
	s7 =	sadd.s32 $0x8, s7;
	v1 =	vsel vm0, v4, v1  }
0xeb: {  	p1 =	slt.u32 s7, $0x4D8;
	vm0 =	vgt.s32 v1, v2  }
0xec: {  	v4 =	vld [tilespmem:s8+$0xFFFFFFD0];
	v1 =	vsel vm0, v1, v2  }
0xed: {  	vm0 =	vgt.s32 v1, v3  }
0xee: {  	v2 =	vld [tilespmem:s8+$0xFFFFFFE0];
	v1 =	vsel vm0, v1, v3  }
0xef: {  	vm0 =	vgt.s32 v1, v5  }
0xf0: {  	v1 =	vsel vm0, v1, v5;
	v3 =	vld [tilespmem:s8+$0xFFFFFFF0]  }
0xf1: {  	vm0 =	vgt.s32 v1, v4  }
0xf2: {  	v1 =	vsel vm0, v1, v4;
	v4 =	vld [tilespmem:s8+$0x0]  }
0xf3: {  	vm0 =	vgt.s32 v1, v2  }
0xf4: {  	v2 =	vsel vm0, v1, v2;
	v1 =	vld [tilespmem:s8+$0x10]  }
.Ltmp3:
0xf5: {  	vm0 =	vgt.s32 v2, v3;
	(pc) =	sbr.rel @p1 .LBB2_8-.Ltmp3, $4  }
0xf6: {  	v3 =	vsel vm0, v2, v3;
	v2 =	vld [tilespmem:s8+$0x20]  }
0xf7: {  	vm0 =	vgt.s32 v3, v4  }
0xf8: {  	v4 =	vsel vm0, v3, v4;
	v3 =	vld [tilespmem:s8+$0x30]  }
0xf9: {  	s8 =	sadd.s32 $0x80, s8;
	vm0 =	vgt.s32 v4, v1  }
0xfa: {  	v1 =	vsel vm0, v4, v1;
	v4 =	vld [tilespmem:$0x9C20]  }
0xfb: {  	vm0 =	vgt.s32 v1, v2  }
0xfc: {  	v1 =	vsel vm0, v1, v2;
	v2 =	vld [tilespmem:$0x9C30]  }
0xfd: {  	vm0 =	vgt.s32 v1, v3  }
0xfe: {  	v1 =	vsel vm0, v1, v3  }
0xff: {  	vm0 =	vgt.s32 v1, v4  }
0x100: {  	v1 =	vsel vm0, v1, v4  }
0x101: {  	vm0 =	vgt.s32 v1, v2  }
0x102: {  	v1 =	vsel vm0, v1, v2  }
0x103: {  	[tilespmem:$0xEA60] =	vst v1  }
0x104: {  	[hbm4b:s20+s22] =	stream.linear.scatter [tilespmem:s28], [sflag:$0x4], $0x4E20, $0x38;
	[tilespmem:$0xEB90] =	vst v63  }
0x105: {  	_ =	swait.ge [sflag:s30], $0x2710  }
0x106: {  	[sflag:s30] =	ssyncset.done $0x0  }
0x107: {  	[sflag:s30] =	ssyncadd.s32 $0xFFFFD8F0  }
0x108: {  	[hbm4b:s15+s22] =	stream.linear.scatter [tilespmem:s26], [sflag:$0x7], $0x2710, $0x38;
	[tilespmem:$0xEB90] =	vst v63  }
0x109: {  	_ =	swait.ge [sflag:s31], $0x4E20  }
0x10a: {  	[sflag:s31] =	ssyncset.done $0x0  }
0x10b: {  	[sflag:s31] =	ssyncadd.s32 $0xFFFFB1E0  }
0x10c: {  	s8 =	simm.s32 $0x40;
	v1 =	vld [tilespmem:$0xEA60]  }
0x10d: {  	v2 =	vld [tilespmem:s8+$0xFFFFFFC0];
	_ =	sdelay $0x1  }
0x10e: {  	v3 =	vld [tilespmem:s8+$0xFFFFFFD0];
	_ =	sdelay $0x1  }
0x10f: {  	v4 =	vld [tilespmem:s8+$0xFFFFFFE0]  }
0x110: {  	vm0 =	vgt.s32 v1, v2  }
0x111: {  	v1 =	vsel vm0, v1, v2;
	v2 =	vld [tilespmem:s8+$0xFFFFFFF0]  }
0x112: {  	vm0 =	vgt.s32 v1, v3  }
0x113: {  	v1 =	vsel vm0, v1, v3;
	v3 =	vld [tilespmem:s8+$0x0]  }
0x114: {  	vm0 =	vgt.s32 v1, v4  }
0x115: {  	v4 =	vsel vm0, v1, v4;
	v1 =	vld [tilespmem:s8+$0x10]  }
0x116: {  	vm0 =	vgt.s32 v4, v2  }
0x117: {  	v4 =	vsel vm0, v4, v2;
	v2 =	vld [tilespmem:s8+$0x20]  }
0x118: {  	vm0 =	vgt.s32 v4, v3  }
0x119: {  	v4 =	vsel vm0, v4, v3;
	v3 =	vld [tilespmem:s8+$0x30]  }
0x11a: {  	s7 =	simm.s32 $0x0;
	s8 =	simm.s32 $0xC0;
	vm0 =	vgt.s32 v4, v1  }
.LBB2_10:
0x11b: {  	v5 =	vld [tilespmem:s8+$0xFFFFFFC0];
	s7 =	sadd.s32 $0x8, s7;
	v1 =	vsel vm0, v4, v1  }
0x11c: {  	p1 =	slt.u32 s7, $0x4D8;
	vm0 =	vgt.s32 v1, v2  }
0x11d: {  	v4 =	vld [tilespmem:s8+$0xFFFFFFD0];
	v1 =	vsel vm0, v1, v2  }
0x11e: {  	vm0 =	vgt.s32 v1, v3  }
0x11f: {  	v2 =	vld [tilespmem:s8+$0xFFFFFFE0];
	v1 =	vsel vm0, v1, v3  }
0x120: {  	vm0 =	vgt.s32 v1, v5  }
0x121: {  	v1 =	vsel vm0, v1, v5;
	v3 =	vld [tilespmem:s8+$0xFFFFFFF0]  }
0x122: {  	vm0 =	vgt.s32 v1, v4  }
0x123: {  	v1 =	vsel vm0, v1, v4;
	v4 =	vld [tilespmem:s8+$0x0]  }
0x124: {  	vm0 =	vgt.s32 v1, v2  }
0x125: {  	v2 =	vsel vm0, v1, v2;
	v1 =	vld [tilespmem:s8+$0x10]  }
.Ltmp4:
0x126: {  	vm0 =	vgt.s32 v2, v3;
	(pc) =	sbr.rel @p1 .LBB2_10-.Ltmp4, $4  }
0x127: {  	v3 =	vsel vm0, v2, v3;
	v2 =	vld [tilespmem:s8+$0x20]  }
0x128: {  	vm0 =	vgt.s32 v3, v4  }
0x129: {  	v4 =	vsel vm0, v3, v4;
	v3 =	vld [tilespmem:s8+$0x30]  }
0x12a: {  	s8 =	sadd.s32 $0x80, s8;
	vm0 =	vgt.s32 v4, v1  }
0x12b: {  	v1 =	vsel vm0, v4, v1;
	v63 =	vld [tilespmem:$0x4E00]  }
0x12c: {  	vm0 =	vgt.s32 v1, v2  }
0x12d: {  	v1 =	vsel vm0, v1, v2;
	v2 =	vld [tilespmem:$0x4E10]  }
0x12e: {  	vm0 =	vgt.s32 v1, v3  }
0x12f: {  	v1 =	vsel vm0, v1, v3  }
0x130: {  	vm0 =	vgt.s32 v1, v63  }
0x131: {  	v1 =	vsel vm0, v1, v63  }
0x132: {  	vm0 =	vgt.s32 v1, v2  }
0x133: {  	v1 =	vsel vm0, v1, v2  }
0x134: {  	[tilespmem:$0xEA60] =	vst v1  }
0x135: {  	[hbm4b:s21+s22] =	stream.linear.scatter [tilespmem:s22], [sflag:$0x3], $0x4E20, $0x38;
	[tilespmem:$0xEB90] =	vst v63  }
0x136: {  	_ =	swait.ge [sflag:s3], $0x4E20  }
0x137: {  	[sflag:s3] =	ssyncset.done $0x0  }
0x138: {  	[sflag:s3] =	ssyncadd.s32 $0xFFFFB1E0  }
0x139: {  	_ =	swait.ge [sflag:s4], $0x2710  }
0x13a: {  	[sflag:s4] =	ssyncset.done $0x0  }
0x13b: {  	[sflag:s4] =	ssyncadd.s32 $0xFFFFD8F0  }
0x13c: {  	_ =	swait.ge [sflag:s17], $0x4E20  }
0x13d: {  	[sflag:s17] =	ssyncset.done $0x0  }
0x13e: {  	[sflag:s17] =	ssyncadd.s32 $0xFFFFB1E0  }
0x13f: {  	_ =	swait.ge [sflag:s0], $0x2710  }
0x140: {  	[sflag:s0] =	ssyncset.done $0x0  }
0x141: {  	s7 =	simm.s32 $0xEA60;
	[sflag:s0] =	ssyncadd.s32 $0xFFFFD8F0  }
0x142: {  	[spmem:s24] =	stream.linear.scatter [tilespmem:s7], [sflag:$0x9], $0x10, $0x38;
	[tilespmem:$0xEB90] =	vst v63  }
0x143: {  	_ =	swait.ge [sflag:s5], $0x10  }
0x144: {  	[sflag:s5] =	ssyncset.done $0x0  }
0x145: {  	[sflag:s5] =	ssyncadd.s32 $0xFFFFFFF0  }
0x146: {  	[bflag:$0x0] =	sbarrier.arrive $0xFFFF  }
0x147: {  	s7 =	simm.s32 @!p0 $0xEA70;
	s8 =	rddreg [dreg:$0x5]  }
0x148: {  	[tilespmem:s7], [sflag:$0x9] =	stream.linear.gather @!p0 [spmem:s8], $0x100, $0x38;
	[tilespmem:$0xEB90] =	vst v63  }
0x149: {  	s7 =	simm.s32 @!p0 $0x9  }
0x14a: {  	_ =	swait.ge @!p0 [sflag:s7], $0x100  }
0x14b: {  	[sflag:s7] =	ssyncset.done @!p0 $0x0  }
0x14c: {  	[sflag:s7] =	ssyncadd.s32 @!p0 $0xFFFFFF00  }
0x14d: {  	v1 =	vld @!p0 [tilespmem:$0xEA70]  }
0x14e: {  	v2 =	vld @!p0 [tilespmem:$0xEA80];
	_ =	sdelay $0x1  }
0x14f: {  	v3 =	vld @!p0 [tilespmem:$0xEA90];
	_ =	sdelay $0x1  }
0x150: {  	v4 =	vld @!p0 [tilespmem:$0xEAA0]  }
0x151: {  	vm0 =	vgt.s32 @!p0 v1, v2  }
0x152: {  	v1 =	vsel @!p0 vm0, v1, v2;
	v2 =	vld @!p0 [tilespmem:$0xEAB0]  }
0x153: {  	vm0 =	vgt.s32 @!p0 v1, v3  }
0x154: {  	v1 =	vsel @!p0 vm0, v1, v3;
	v3 =	vld @!p0 [tilespmem:$0xEAC0]  }
0x155: {  	vm0 =	vgt.s32 @!p0 v1, v4  }
0x156: {  	v1 =	vsel @!p0 vm0, v1, v4;
	v4 =	vld @!p0 [tilespmem:$0xEAD0]  }
0x157: {  	vm0 =	vgt.s32 @!p0 v1, v2  }
0x158: {  	v1 =	vsel @!p0 vm0, v1, v2;
	v2 =	vld @!p0 [tilespmem:$0xEAE0]  }
0x159: {  	vm0 =	vgt.s32 @!p0 v1, v3  }
0x15a: {  	v1 =	vsel @!p0 vm0, v1, v3;
	v3 =	vld @!p0 [tilespmem:$0xEAF0]  }
0x15b: {  	vm0 =	vgt.s32 @!p0 v1, v4  }
0x15c: {  	v1 =	vsel @!p0 vm0, v1, v4;
	v4 =	vld @!p0 [tilespmem:$0xEB00]  }
0x15d: {  	vm0 =	vgt.s32 @!p0 v1, v2  }
0x15e: {  	v1 =	vsel @!p0 vm0, v1, v2;
	v2 =	vld @!p0 [tilespmem:$0xEB10]  }
0x15f: {  	vm0 =	vgt.s32 @!p0 v1, v3  }
0x160: {  	v1 =	vsel @!p0 vm0, v1, v3;
	v3 =	vld @!p0 [tilespmem:$0xEB20]  }
0x161: {  	vm0 =	vgt.s32 @!p0 v1, v4  }
0x162: {  	v1 =	vsel @!p0 vm0, v1, v4;
	v4 =	vld @!p0 [tilespmem:$0xEB30]  }
0x163: {  	vm0 =	vgt.s32 @!p0 v1, v2  }
0x164: {  	v1 =	vsel @!p0 vm0, v1, v2;
	v2 =	vld @!p0 [tilespmem:$0xEB40]  }
0x165: {  	vm0 =	vgt.s32 @!p0 v1, v3  }
0x166: {  	v1 =	vsel @!p0 vm0, v1, v3;
	v3 =	vld @!p0 [tilespmem:$0xEB50]  }
0x167: {  	vm0 =	vgt.s32 @!p0 v1, v4  }
0x168: {  	v1 =	vsel @!p0 vm0, v1, v4;
	v4 =	vld @!p0 [tilespmem:$0xEB60]  }
0x169: {  	vm0 =	vgt.s32 @!p0 v1, v2  }
0x16a: {  	v1 =	vsel @!p0 vm0, v1, v2  }
0x16b: {  	vm0 =	vgt.s32 @!p0 v1, v3  }
0x16c: {  	v1 =	vsel @!p0 vm0, v1, v3  }
0x16d: {  	s6 =	sadd.s32 $0x1, s6;
	vm0 =	vgt.s32 @!p0 v1, v4  }
0x16e: {  	p1 =	sne.s32 s6, s25;
	v1 =	vsel @!p0 vm0, v1, v4  }
.Ltmp5:
0x16f: {  	s9 =	simm.s32 @!p0 $0xEB70;
	s8 =	simm.s32 @!p0 $0x0;
	[tilespmem:$0xEB70] =	vst @!p0 v1;
	(pc) =	sbr.rel @p1 .LBB2_1-.Ltmp5, $4  }
0x170: {  	[hbm4b:s23+s8] =	stream.linear.scatter @!p0 [tilespmem:s9], [sflag:$0x9], $0x10, $0x38;
	[tilespmem:$0xEB90] =	vst v63  }
0x171: {  	_ =	swait.ge @!p0 [sflag:s7], $0x10  }
0x172: {  	[sflag:s7] =	ssyncset.done @!p0 $0x0  }
0x173: {  	[sflag:s7] =	ssyncadd.s32 @!p0 $0xFFFFFFF0  }
0x174: {  	_ =	sfence.sel $0x180000  }
0x175: {  	[bflag:$0x0] =	sbarrier.arrive $0xFFFF  }
0x176: {  	_ =	strace $0x90000047  }
0x177: {  	[bflag:$0x2] =	sbarrier.arrive $0xFFFF  }
0x178: {  	s0 =	rddreg [dreg:$0x6]  }
0x179: {  	s0 =	sadd.s32 @!p0 $0x100000, s0  }
0x17a: {  	[sflag:s0] =	ssyncadd.tile.s32 @!p0 $0x1;
	_ =	shalt  }
.Lfunc_end2:
_tile_overlayer_lowered:
.L_overlay_start_2:
0x17b: {  	(tag) =	ssettag $0x2  }
0x17c: {  	s0 =	rddreg [dreg:$0x0];
	s2 =	stileid.u32  }
0x17d: {  	s1 =	rddreg [dreg:$0x1];
	p0 =	sne.s32 s2, $0x0  }
0x17e: {  	s3 =	rddreg [dreg:$0x2];
	[bflag:$0x3] =	sbarrier.arrive $0xFFFF;
	s2 =	simm.s32 @!p0 $0x1C09  }
0x17f: {  	[timem:s3], [sflag:s2] =	dma.local @!p0 [hbm:s0], s1  }
0x180: {  	s0 =	simm.s32 @!p0 $0x9  }
0x181: {  	_ =	swait.ge @!p0 [sflag:s0], s1  }
0x182: {  	s1 =	ssub.s32 @!p0 $0x0, s1;
	[sflag:s0] =	ssyncset.done @!p0 $0x0  }
0x183: {  	[sflag:s0] =	ssyncadd.s32 @!p0 s1  }
0x184: {  	[bflag:$0x3] =	sbarrier.arrive $0xFFFF  }
0x185: {  	_ =	shalt  }

</sc_bundles>
